<compile_context>
chip_gen: v7x
topology: tpu7x:2x2x1
jax: 0.10.2.dev20260603
libtpu: 0.0.44.dev20260713+nightly
codegen_flags: <defaults>
</compile_context>

<pallas_src>
import functools
import math

import jax
import jax.numpy as jnp
import numpy as np
from jax import lax
from jax.experimental import pallas as pl
from jax.experimental.pallas import tpu as pltpu
from jax.experimental.pallas import tpu_sc as plsc

VOCAB = 1000000
EMB = 64
B = 4096
S = 200
SCALE = math.sqrt(EMB)

_info = plsc.get_sparse_core_info()
NC, NS, L = _info.num_cores, _info.num_subcores, _info.num_lanes
NW = NC * NS
SEQ_PER_W = B // NW
N_VREG = EMB // L
G1 = 128
G2 = S - G1
ROWS_W = SEQ_PER_W * S
OC = 128
OROW_SEQ = S * EMB // OC
_ROW_SLICES = [16 * j for j in range(S // 16)] + [S - 16]


def _pos_encoding_np(max_len, d):
    pos = np.arange(max_len)[:, None].astype(np.float32)
    div = np.exp(np.arange(0, d, 2).astype(np.float32) * (-math.log(10000.0) / d))
    pe = np.zeros((max_len, d), dtype=np.float32)
    pe[:, 0::2] = np.sin(pos * div)
    pe[:, 1::2] = np.cos(pos * div)
    return pe


_PE_NP = _pos_encoding_np(S, EMB)


def _body(tok_hbm, xf_hbm, pe_hbm, out_hbm, pe_v, idxf_v, idx_v, rows, oflat, gsems, ssems):
    wid = lax.axis_index("s") * NC + lax.axis_index("c")
    seq0 = wid * SEQ_PER_W
    base = wid * SEQ_PER_W * OROW_SEQ

    pltpu.sync_copy(pe_hbm, pe_v)
    pltpu.sync_copy(xf_hbm.at[pl.ds(seq0, SEQ_PER_W)], idxf_v)

    def brow(r, c):
        for off in _ROW_SLICES:
            sl = pl.ds(off, L)
            idx_v[r, sl] = plsc.bitcast(idxf_v[r, sl], jnp.int32)
        return c

    lax.fori_loop(0, SEQ_PER_W, brow, 0)

    def fire_gather(i, p):
        pltpu.async_copy(
            tok_hbm.at[idx_v.at[i, pl.ds(0, G1)]], rows[p].at[pl.ds(0, G1)], gsems[p]
        )
        pltpu.async_copy(
            tok_hbm.at[idx_v.at[i, pl.ds(G1, G2)]], rows[p].at[pl.ds(G1, G2)], gsems[p]
        )

    def wait_gather(i, p):
        pltpu.make_async_copy(
            tok_hbm.at[idx_v.at[i, pl.ds(0, G1)]], rows[p].at[pl.ds(0, G1)], gsems[p]
        ).wait()
        pltpu.make_async_copy(
            tok_hbm.at[idx_v.at[i, pl.ds(G1, G2)]], rows[p].at[pl.ds(G1, G2)], gsems[p]
        ).wait()

    def _out_slice(i):
        return out_hbm.at[pl.ds(base + i * OROW_SEQ, OROW_SEQ)]

    def fire_scatter(i, p):
        pltpu.async_copy(oflat[p], _out_slice(i), ssems[p])

    def wait_scatter(i, p):
        pltpu.make_async_copy(oflat[p], _out_slice(i), ssems[p]).wait()

    def compute(p):
        rv = rows[p]
        ov = oflat[p]

        def crow(r, c):
            for u in range(2):
                rr = 2 * r + u
                for j in range(N_VREG):
                    sl = pl.ds(j * L, L)
                    ov[r, pl.ds((4 * u + j) * L, L)] = rv[rr, sl] * SCALE + pe_v[rr, sl]
            return c

        lax.fori_loop(0, S // 2, crow, 0)

    def step(i, p, first=False, last=False):
        if not first:
            wait_scatter(i - 1, 1 - p)
        if not last:
            fire_gather(i + 1, 1 - p)
        wait_gather(i, p)
        compute(p)
        fire_scatter(i, p)

    fire_gather(0, 0)
    step(0, 0, first=True)

    def pair(k, c):
        step(2 * k + 1, 1)
        step(2 * k + 2, 0)
        return c

    lax.fori_loop(0, (SEQ_PER_W - 2) // 2, pair, 0)
    step(SEQ_PER_W - 1, 1, last=True)
    wait_scatter(SEQ_PER_W - 1, 1)


@jax.jit
def _emb_lookup(tok_emb, xf32, pe):
    mesh = plsc.VectorSubcoreMesh(core_axis_name="c", subcore_axis_name="s")
    f = pl.kernel(
        _body,
        mesh=mesh,
        out_type=jax.ShapeDtypeStruct((B * S * EMB // OC, OC), jnp.float32),
        scratch_types=[
            pltpu.VMEM((S, EMB), jnp.float32),
            pltpu.VMEM((SEQ_PER_W, S), jnp.float32),
            pltpu.VMEM((SEQ_PER_W, S), jnp.int32),
            [pltpu.VMEM((S, EMB), jnp.float32) for _ in range(2)],
            [pltpu.VMEM((OROW_SEQ, OC), jnp.float32) for _ in range(2)],
            [pltpu.SemaphoreType.DMA for _ in range(2)],
            [pltpu.SemaphoreType.DMA for _ in range(2)],
        ],
        compiler_params=pltpu.CompilerParams(
            use_tc_tiling_on_sc=False, needs_layout_passes=False
        ),
    )
    return f(tok_emb, xf32, pe)


def kernel(x, tok_emb):
    pe = jnp.asarray(_PE_NP)
    xf32 = jax.lax.bitcast_convert_type(x.astype(jnp.int32), jnp.float32)
    flat = _emb_lookup(tok_emb, xf32, pe)
    return flat.reshape(B, S, EMB)

# --- scband reference (transcript-rebuilt; emitter-appended) ---
"""Pipeline reference for scband-embeddings-54786602828000 (READ-ONLY COPY).

The authoritative reference and input builder live on the scoring server;
editing this copy changes nothing except your own understanding.
"""

import jax, jax.numpy as jnp
import numpy as np
import math

VOCAB = 1000000
EMB = 64
B = 4096
S = 200
SCALE = math.sqrt(EMB)


def _pos_encoding(max_len, d):
    pos = np.arange(max_len)[:, None].astype(np.float32)
    div = np.exp(np.arange(0, d, 2).astype(np.float32) * (-math.log(10000.0) / d))
    pe = np.zeros((max_len, d), dtype=np.float32)
    pe[:, 0::2] = np.sin(pos * div)
    pe[:, 1::2] = np.cos(pos * div)
    return jnp.asarray(pe)


def setup_inputs(seed: int = 0) -> dict:
    key = jax.random.key(seed)
    k1, k2 = jax.random.split(key)
    x = jax.random.randint(k1, (B, S), 0, VOCAB)
    tok_emb = jax.random.normal(k2, (VOCAB, EMB), dtype=jnp.float32) * 0.02
    return {"x": x, "tok_emb": tok_emb}


def reference(x, tok_emb):
    # tok_emb lookup (gather) then scale by sqrt(emb_dim)
    out = jnp.take(tok_emb, x, axis=0) * SCALE
    # sinusoidal positional encoding added (PositionalEncoding)
    pe = _pos_encoding(S, EMB)
    out = out + pe[None, :, :]
    # dropout is identity in eval mode; emb_dim == hidden_dim so no fc layer
    return out

if __name__ == "__main__":
    import jax
    _d = setup_inputs()
    print(jax.jit(kernel)(*tuple(_d.values())))

</pallas_src>

<mosaic_0001>
#map = affine_map<(d0, d1) -> (0, 0)>
module attributes {stable_mosaic.version = 14 : i64} {
  func.func @_body(%arg0: i32, %arg1: i32, %arg2: memref<1000000x64xf32, #tpu.memory_space<hbm>>, %arg3: memref<4096x200xf32, #tpu.memory_space<hbm>>, %arg4: memref<200x64xf32, #tpu.memory_space<hbm>>, %arg5: memref<409600x128xf32, #tpu.memory_space<hbm>>, %arg6: memref<200x64xf32, #tpu.memory_space<vmem>>, %arg7: memref<128x200xf32, #tpu.memory_space<vmem>>, %arg8: memref<128x200xi32, #tpu.memory_space<vmem>>, %arg9: memref<200x64xf32, #tpu.memory_space<vmem>>, %arg10: memref<200x64xf32, #tpu.memory_space<vmem>>, %arg11: memref<100x128xf32, #tpu.memory_space<vmem>>, %arg12: memref<100x128xf32, #tpu.memory_space<vmem>>, %arg13: memref<!tpu.dma_semaphore, #tpu.memory_space<semaphore_mem>>, %arg14: memref<!tpu.dma_semaphore, #tpu.memory_space<semaphore_mem>>, %arg15: memref<!tpu.dma_semaphore, #tpu.memory_space<semaphore_mem>>, %arg16: memref<!tpu.dma_semaphore, #tpu.memory_space<semaphore_mem>>) attributes {dimension_semantics = [#tpu.dimension_semantics<core_parallel>, #tpu.dimension_semantics<subcore_parallel>], iteration_bounds = array<i64: 2, 16>, scalar_prefetch = 0 : i64, scratch_operands = 11 : i64, tpu.core_type = #tpu.core_type<sc_vector_subcore>, window_params = [{transform_indices = #map}, {transform_indices = #map}, {transform_indices = #map}, {transform_indices = #map}]} {
    %mul3A = arith.constant 2 : i32
    %mul3A_0 = arith.muli %arg1, %mul3A : i32
    %add3A = arith.addi %mul3A_0, %arg0 : i32
    %mul3A_1 = arith.constant 128 : i32
    %mul3A_2 = arith.muli %add3A, %mul3A_1 : i32
    %mul3A_3 = arith.constant 128 : i32
    %mul3A_4 = arith.muli %add3A, %mul3A_3 : i32
    %mul3A_5 = arith.constant 100 : i32
    %mul3A_6 = arith.muli %mul3A_4, %mul3A_5 : i32
    "tpu.region"() ({
      %run_scoped3A = tpu.sem_alloc : memref<!tpu.dma_semaphore, #tpu.memory_space<semaphore_mem>>
      tpu.enqueue_dma source(%arg4 : memref<200x64xf32, #tpu.memory_space<hbm>>) target(%arg6 : memref<200x64xf32, #tpu.memory_space<vmem>>) target_semaphore(%run_scoped3A : memref<!tpu.dma_semaphore, #tpu.memory_space<semaphore_mem>>)
      tpu.wait_dma2 semaphore(%run_scoped3A : memref<!tpu.dma_semaphore, #tpu.memory_space<semaphore_mem>>) src(%arg4 : memref<200x64xf32, #tpu.memory_space<hbm>>) dst(%arg6 : memref<200x64xf32, #tpu.memory_space<vmem>>)
      tpu.yield
    }) : () -> ()
    "tpu.region"() ({
      %run_scoped3A = tpu.sem_alloc : memref<!tpu.dma_semaphore, #tpu.memory_space<semaphore_mem>>
      %dma_start3A_132 = arith.constant 0 : i32
      %dma_start3A_133 = tpu.memref_slice %arg3[%mul3A_2, %dma_start3A_132] : memref<4096x200xf32, #tpu.memory_space<hbm>> -> memref<128x200xf32, #tpu.memory_space<hbm>>
      %dma_start3A_134 = arith.constant 0 : i32
      %dma_start3A_135 = tpu.memref_slice %arg3[%mul3A_2, %dma_start3A_134] : memref<4096x200xf32, #tpu.memory_space<hbm>> -> memref<128x200xf32, #tpu.memory_space<hbm>>
      tpu.enqueue_dma source(%dma_start3A_135 : memref<128x200xf32, #tpu.memory_space<hbm>>) target(%arg7 : memref<128x200xf32, #tpu.memory_space<vmem>>) target_semaphore(%run_scoped3A : memref<!tpu.dma_semaphore, #tpu.memory_space<semaphore_mem>>)
      %dma_wait3A_136 = arith.constant 0 : i32
      %dma_wait3A_137 = tpu.memref_slice %arg3[%mul3A_2, %dma_wait3A_136] : memref<4096x200xf32, #tpu.memory_space<hbm>> -> memref<128x200xf32, #tpu.memory_space<hbm>>
      %dma_wait3A_138 = arith.constant 0 : i32
      %dma_wait3A_139 = tpu.memref_slice %arg3[%mul3A_2, %dma_wait3A_138] : memref<4096x200xf32, #tpu.memory_space<hbm>> -> memref<128x200xf32, #tpu.memory_space<hbm>>
      tpu.wait_dma2 semaphore(%run_scoped3A : memref<!tpu.dma_semaphore, #tpu.memory_space<semaphore_mem>>) src(%dma_wait3A_139 : memref<128x200xf32, #tpu.memory_space<hbm>>) dst(%arg7 : memref<128x200xf32, #tpu.memory_space<vmem>>)
      tpu.yield
    }) : () -> ()
    %scan3A = arith.constant 0 : i32
    %scan3A_7 = arith.constant 0 : i32
    %scan3A_8 = arith.constant 128 : i32
    %scan3A_9 = arith.addi %scan3A_7, %scan3A_8 : i32
    %scan3A_10 = arith.constant 1 : i32
    scf.for %scan3A_132 = %scan3A_7 to %scan3A_9 step %scan3A_10  : i32 {
      %get3A = arith.index_cast %scan3A_132 : i32 to index
      %get3A_133 = arith.constant 0 : index
      %get3A_134 = tpu.vector_load %arg7[%get3A, %get3A_133] {strides = array<i32>} : memref<128x200xf32, #tpu.memory_space<vmem>>, vector<16xf32>,
      %bitcast3A = vector.bitcast %get3A_134 : vector<16xf32> to vector<16xi32>
      %swap3A = arith.index_cast %scan3A_132 : i32 to index
      %swap3A_135 = arith.constant 0 : index
      %swap3A_136 = tpu.vector_load %arg8[%swap3A, %swap3A_135] {strides = array<i32>} : memref<128x200xi32, #tpu.memory_space<vmem>>, vector<16xi32>,
      tpu.vector_store %arg8[%swap3A, %swap3A_135], %bitcast3A {strides = array<i32>} : memref<128x200xi32, #tpu.memory_space<vmem>>, vector<16xi32>,
      %get3A_137 = arith.index_cast %scan3A_132 : i32 to index
      %get3A_138 = arith.constant 16 : index
      %get3A_139 = tpu.vector_load %arg7[%get3A_137, %get3A_138] {strides = array<i32>} : memref<128x200xf32, #tpu.memory_space<vmem>>, vector<16xf32>,
      %bitcast3A_140 = vector.bitcast %get3A_139 : vector<16xf32> to vector<16xi32>
      %swap3A_141 = arith.index_cast %scan3A_132 : i32 to index
      %swap3A_142 = arith.constant 16 : index
      %swap3A_143 = tpu.vector_load %arg8[%swap3A_141, %swap3A_142] {strides = array<i32>} : memref<128x200xi32, #tpu.memory_space<vmem>>, vector<16xi32>,
      tpu.vector_store %arg8[%swap3A_141, %swap3A_142], %bitcast3A_140 {strides = array<i32>} : memref<128x200xi32, #tpu.memory_space<vmem>>, vector<16xi32>,
      %get3A_144 = arith.index_cast %scan3A_132 : i32 to index
      %get3A_145 = arith.constant 32 : index
      %get3A_146 = tpu.vector_load %arg7[%get3A_144, %get3A_145] {strides = array<i32>} : memref<128x200xf32, #tpu.memory_space<vmem>>, vector<16xf32>,
      %bitcast3A_147 = vector.bitcast %get3A_146 : vector<16xf32> to vector<16xi32>
      %swap3A_148 = arith.index_cast %scan3A_132 : i32 to index
      %swap3A_149 = arith.constant 32 : index
      %swap3A_150 = tpu.vector_load %arg8[%swap3A_148, %swap3A_149] {strides = array<i32>} : memref<128x200xi32, #tpu.memory_space<vmem>>, vector<16xi32>,
      tpu.vector_store %arg8[%swap3A_148, %swap3A_149], %bitcast3A_147 {strides = array<i32>} : memref<128x200xi32, #tpu.memory_space<vmem>>, vector<16xi32>,
      %get3A_151 = arith.index_cast %scan3A_132 : i32 to index
      %get3A_152 = arith.constant 48 : index
      %get3A_153 = tpu.vector_load %arg7[%get3A_151, %get3A_152] {strides = array<i32>} : memref<128x200xf32, #tpu.memory_space<vmem>>, vector<16xf32>,
      %bitcast3A_154 = vector.bitcast %get3A_153 : vector<16xf32> to vector<16xi32>
      %swap3A_155 = arith.index_cast %scan3A_132 : i32 to index
      %swap3A_156 = arith.constant 48 : index
      %swap3A_157 = tpu.vector_load %arg8[%swap3A_155, %swap3A_156] {strides = array<i32>} : memref<128x200xi32, #tpu.memory_space<vmem>>, vector<16xi32>,
      tpu.vector_store %arg8[%swap3A_155, %swap3A_156], %bitcast3A_154 {strides = array<i32>} : memref<128x200xi32, #tpu.memory_space<vmem>>, vector<16xi32>,
      %get3A_158 = arith.index_cast %scan3A_132 : i32 to index
      %get3A_159 = arith.constant 64 : index
      %get3A_160 = tpu.vector_load %arg7[%get3A_158, %get3A_159] {strides = array<i32>} : memref<128x200xf32, #tpu.memory_space<vmem>>, vector<16xf32>,
      %bitcast3A_161 = vector.bitcast %get3A_160 : vector<16xf32> to vector<16xi32>
      %swap3A_162 = arith.index_cast %scan3A_132 : i32 to index
      %swap3A_163 = arith.constant 64 : index
      %swap3A_164 = tpu.vector_load %arg8[%swap3A_162, %swap3A_163] {strides = array<i32>} : memref<128x200xi32, #tpu.memory_space<vmem>>, vector<16xi32>,
      tpu.vector_store %arg8[%swap3A_162, %swap3A_163], %bitcast3A_161 {strides = array<i32>} : memref<128x200xi32, #tpu.memory_space<vmem>>, vector<16xi32>,
      %get3A_165 = arith.index_cast %scan3A_132 : i32 to index
      %get3A_166 = arith.constant 80 : index
      %get3A_167 = tpu.vector_load %arg7[%get3A_165, %get3A_166] {strides = array<i32>} : memref<128x200xf32, #tpu.memory_space<vmem>>, vector<16xf32>,
      %bitcast3A_168 = vector.bitcast %get3A_167 : vector<16xf32> to vector<16xi32>
      %swap3A_169 = arith.index_cast %scan3A_132 : i32 to index
      %swap3A_170 = arith.constant 80 : index
      %swap3A_171 = tpu.vector_load %arg8[%swap3A_169, %swap3A_170] {strides = array<i32>} : memref<128x200xi32, #tpu.memory_space<vmem>>, vector<16xi32>,
      tpu.vector_store %arg8[%swap3A_169, %swap3A_170], %bitcast3A_168 {strides = array<i32>} : memref<128x200xi32, #tpu.memory_space<vmem>>, vector<16xi32>,
      %get3A_172 = arith.index_cast %scan3A_132 : i32 to index
      %get3A_173 = arith.constant 96 : index
      %get3A_174 = tpu.vector_load %arg7[%get3A_172, %get3A_173] {strides = array<i32>} : memref<128x200xf32, #tpu.memory_space<vmem>>, vector<16xf32>,
      %bitcast3A_175 = vector.bitcast %get3A_174 : vector<16xf32> to vector<16xi32>
      %swap3A_176 = arith.index_cast %scan3A_132 : i32 to index
      %swap3A_177 = arith.constant 96 : index
      %swap3A_178 = tpu.vector_load %arg8[%swap3A_176, %swap3A_177] {strides = array<i32>} : memref<128x200xi32, #tpu.memory_space<vmem>>, vector<16xi32>,
      tpu.vector_store %arg8[%swap3A_176, %swap3A_177], %bitcast3A_175 {strides = array<i32>} : memref<128x200xi32, #tpu.memory_space<vmem>>, vector<16xi32>,
      %get3A_179 = arith.index_cast %scan3A_132 : i32 to index
      %get3A_180 = arith.constant 112 : index
      %get3A_181 = tpu.vector_load %arg7[%get3A_179, %get3A_180] {strides = array<i32>} : memref<128x200xf32, #tpu.memory_space<vmem>>, vector<16xf32>,
      %bitcast3A_182 = vector.bitcast %get3A_181 : vector<16xf32> to vector<16xi32>
      %swap3A_183 = arith.index_cast %scan3A_132 : i32 to index
      %swap3A_184 = arith.constant 112 : index
      %swap3A_185 = tpu.vector_load %arg8[%swap3A_183, %swap3A_184] {strides = array<i32>} : memref<128x200xi32, #tpu.memory_space<vmem>>, vector<16xi32>,
      tpu.vector_store %arg8[%swap3A_183, %swap3A_184], %bitcast3A_182 {strides = array<i32>} : memref<128x200xi32, #tpu.memory_space<vmem>>, vector<16xi32>,
      %get3A_186 = arith.index_cast %scan3A_132 : i32 to index
      %get3A_187 = arith.constant 128 : index
      %get3A_188 = tpu.vector_load %arg7[%get3A_186, %get3A_187] {strides = array<i32>} : memref<128x200xf32, #tpu.memory_space<vmem>>, vector<16xf32>,
      %bitcast3A_189 = vector.bitcast %get3A_188 : vector<16xf32> to vector<16xi32>
      %swap3A_190 = arith.index_cast %scan3A_132 : i32 to index
      %swap3A_191 = arith.constant 128 : index
      %swap3A_192 = tpu.vector_load %arg8[%swap3A_190, %swap3A_191] {strides = array<i32>} : memref<128x200xi32, #tpu.memory_space<vmem>>, vector<16xi32>,
      tpu.vector_store %arg8[%swap3A_190, %swap3A_191], %bitcast3A_189 {strides = array<i32>} : memref<128x200xi32, #tpu.memory_space<vmem>>, vector<16xi32>,
      %get3A_193 = arith.index_cast %scan3A_132 : i32 to index
      %get3A_194 = arith.constant 144 : index
      %get3A_195 = tpu.vector_load %arg7[%get3A_193, %get3A_194] {strides = array<i32>} : memref<128x200xf32, #tpu.memory_space<vmem>>, vector<16xf32>,
      %bitcast3A_196 = vector.bitcast %get3A_195 : vector<16xf32> to vector<16xi32>
      %swap3A_197 = arith.index_cast %scan3A_132 : i32 to index
      %swap3A_198 = arith.constant 144 : index
      %swap3A_199 = tpu.vector_load %arg8[%swap3A_197, %swap3A_198] {strides = array<i32>} : memref<128x200xi32, #tpu.memory_space<vmem>>, vector<16xi32>,
      tpu.vector_store %arg8[%swap3A_197, %swap3A_198], %bitcast3A_196 {strides = array<i32>} : memref<128x200xi32, #tpu.memory_space<vmem>>, vector<16xi32>,
      %get3A_200 = arith.index_cast %scan3A_132 : i32 to index
      %get3A_201 = arith.constant 160 : index
      %get3A_202 = tpu.vector_load %arg7[%get3A_200, %get3A_201] {strides = array<i32>} : memref<128x200xf32, #tpu.memory_space<vmem>>, vector<16xf32>,
      %bitcast3A_203 = vector.bitcast %get3A_202 : vector<16xf32> to vector<16xi32>
      %swap3A_204 = arith.index_cast %scan3A_132 : i32 to index
      %swap3A_205 = arith.constant 160 : index
      %swap3A_206 = tpu.vector_load %arg8[%swap3A_204, %swap3A_205] {strides = array<i32>} : memref<128x200xi32, #tpu.memory_space<vmem>>, vector<16xi32>,
      tpu.vector_store %arg8[%swap3A_204, %swap3A_205], %bitcast3A_203 {strides = array<i32>} : memref<128x200xi32, #tpu.memory_space<vmem>>, vector<16xi32>,
      %get3A_207 = arith.index_cast %scan3A_132 : i32 to index
      %get3A_208 = arith.constant 176 : index
      %get3A_209 = tpu.vector_load %arg7[%get3A_207, %get3A_208] {strides = array<i32>} : memref<128x200xf32, #tpu.memory_space<vmem>>, vector<16xf32>,
      %bitcast3A_210 = vector.bitcast %get3A_209 : vector<16xf32> to vector<16xi32>
      %swap3A_211 = arith.index_cast %scan3A_132 : i32 to index
      %swap3A_212 = arith.constant 176 : index
      %swap3A_213 = tpu.vector_load %arg8[%swap3A_211, %swap3A_212] {strides = array<i32>} : memref<128x200xi32, #tpu.memory_space<vmem>>, vector<16xi32>,
      tpu.vector_store %arg8[%swap3A_211, %swap3A_212], %bitcast3A_210 {strides = array<i32>} : memref<128x200xi32, #tpu.memory_space<vmem>>, vector<16xi32>,
      %get3A_214 = arith.index_cast %scan3A_132 : i32 to index
      %get3A_215 = arith.constant 184 : index
      %get3A_216 = tpu.vector_load %arg7[%get3A_214, %get3A_215] {strides = array<i32>} : memref<128x200xf32, #tpu.memory_space<vmem>>, vector<16xf32>,
      %bitcast3A_217 = vector.bitcast %get3A_216 : vector<16xf32> to vector<16xi32>
      %swap3A_218 = arith.index_cast %scan3A_132 : i32 to index
      %swap3A_219 = arith.constant 184 : index
      %swap3A_220 = tpu.vector_load %arg8[%swap3A_218, %swap3A_219] {strides = array<i32>} : memref<128x200xi32, #tpu.memory_space<vmem>>, vector<16xi32>,
      tpu.vector_store %arg8[%swap3A_218, %swap3A_219], %bitcast3A_217 {strides = array<i32>} : memref<128x200xi32, #tpu.memory_space<vmem>>, vector<16xi32>,
    }
    %scan3A_11 = arith.constant 128 : i32
    %dma_start3A = arith.constant 0 : i32
    %dma_start3A_12 = arith.constant 0 : i32
    %dma_start3A_13 = arith.constant 0 : i32
    %dma_start3A_14 = tpu.memref_slice %arg9[%dma_start3A_12, %dma_start3A_13] : memref<200x64xf32, #tpu.memory_space<vmem>> -> memref<128x64xf32, #tpu.memory_space<vmem>>
    %dma_start3A_15 = arith.constant 0 : i32
    %dma_start3A_16 = tpu.memref_slice %arg8[%dma_start3A, %dma_start3A_15] : memref<128x200xi32, #tpu.memory_space<vmem>> -> memref<1x128xi32, #tpu.memory_space<vmem>>
    %dma_start3A_17 = tpu.memref_squeeze %dma_start3A_16 : memref<1x128xi32, #tpu.memory_space<vmem>> -> memref<128xi32, #tpu.memory_space<vmem>>
    %dma_start3A_18 = arith.constant 0 : i32
    %dma_start3A_19 = arith.constant 0 : i32
    %dma_start3A_20 = tpu.memref_slice %arg2[%dma_start3A_18, %dma_start3A_19] : memref<1000000x64xf32, #tpu.memory_space<hbm>> -> memref<1000000x64xf32, #tpu.memory_space<hbm>>
    tpu.enqueue_indirect_dma source(%dma_start3A_20 : memref<1000000x64xf32, #tpu.memory_space<hbm>>) target(%dma_start3A_14 : memref<128x64xf32, #tpu.memory_space<vmem>>) offsets(%dma_start3A_17 : memref<128xi32, #tpu.memory_space<vmem>>) semaphore(%arg13 : memref<!tpu.dma_semaphore, #tpu.memory_space<semaphore_mem>>)
    %dma_start3A_21 = arith.constant 0 : i32
    %dma_start3A_22 = arith.constant 128 : i32
    %dma_start3A_23 = arith.constant 0 : i32
    %dma_start3A_24 = tpu.memref_slice %arg9[%dma_start3A_22, %dma_start3A_23] : memref<200x64xf32, #tpu.memory_space<vmem>> -> memref<72x64xf32, #tpu.memory_space<vmem>>
    %dma_start3A_25 = arith.constant 128 : i32
    %dma_start3A_26 = tpu.memref_slice %arg8[%dma_start3A_21, %dma_start3A_25] : memref<128x200xi32, #tpu.memory_space<vmem>> -> memref<1x72xi32, #tpu.memory_space<vmem>>
    %dma_start3A_27 = tpu.memref_squeeze %dma_start3A_26 : memref<1x72xi32, #tpu.memory_space<vmem>> -> memref<72xi32, #tpu.memory_space<vmem>>
    %dma_start3A_28 = arith.constant 0 : i32
    %dma_start3A_29 = arith.constant 0 : i32
    %dma_start3A_30 = tpu.memref_slice %arg2[%dma_start3A_28, %dma_start3A_29] : memref<1000000x64xf32, #tpu.memory_space<hbm>> -> memref<1000000x64xf32, #tpu.memory_space<hbm>>
    tpu.enqueue_indirect_dma source(%dma_start3A_30 : memref<1000000x64xf32, #tpu.memory_space<hbm>>) target(%dma_start3A_24 : memref<72x64xf32, #tpu.memory_space<vmem>>) offsets(%dma_start3A_27 : memref<72xi32, #tpu.memory_space<vmem>>) semaphore(%arg13 : memref<!tpu.dma_semaphore, #tpu.memory_space<semaphore_mem>>)
    %dma_start3A_31 = arith.constant 1 : i32
    %dma_start3A_32 = arith.constant 0 : i32
    %dma_start3A_33 = arith.constant 0 : i32
    %dma_start3A_34 = tpu.memref_slice %arg10[%dma_start3A_32, %dma_start3A_33] : memref<200x64xf32, #tpu.memory_space<vmem>> -> memref<128x64xf32, #tpu.memory_space<vmem>>
    %dma_start3A_35 = arith.constant 0 : i32
    %dma_start3A_36 = tpu.memref_slice %arg8[%dma_start3A_31, %dma_start3A_35] : memref<128x200xi32, #tpu.memory_space<vmem>> -> memref<1x128xi32, #tpu.memory_space<vmem>>
    %dma_start3A_37 = tpu.memref_squeeze %dma_start3A_36 : memref<1x128xi32, #tpu.memory_space<vmem>> -> memref<128xi32, #tpu.memory_space<vmem>>
    %dma_start3A_38 = arith.constant 0 : i32
    %dma_start3A_39 = arith.constant 0 : i32
    %dma_start3A_40 = tpu.memref_slice %arg2[%dma_start3A_38, %dma_start3A_39] : memref<1000000x64xf32, #tpu.memory_space<hbm>> -> memref<1000000x64xf32, #tpu.memory_space<hbm>>
    tpu.enqueue_indirect_dma source(%dma_start3A_40 : memref<1000000x64xf32, #tpu.memory_space<hbm>>) target(%dma_start3A_34 : memref<128x64xf32, #tpu.memory_space<vmem>>) offsets(%dma_start3A_37 : memref<128xi32, #tpu.memory_space<vmem>>) semaphore(%arg14 : memref<!tpu.dma_semaphore, #tpu.memory_space<semaphore_mem>>)
    %dma_start3A_41 = arith.constant 1 : i32
    %dma_start3A_42 = arith.constant 128 : i32
    %dma_start3A_43 = arith.constant 0 : i32
    %dma_start3A_44 = tpu.memref_slice %arg10[%dma_start3A_42, %dma_start3A_43] : memref<200x64xf32, #tpu.memory_space<vmem>> -> memref<72x64xf32, #tpu.memory_space<vmem>>
    %dma_start3A_45 = arith.constant 128 : i32
    %dma_start3A_46 = tpu.memref_slice %arg8[%dma_start3A_41, %dma_start3A_45] : memref<128x200xi32, #tpu.memory_space<vmem>> -> memref<1x72xi32, #tpu.memory_space<vmem>>
    %dma_start3A_47 = tpu.memref_squeeze %dma_start3A_46 : memref<1x72xi32, #tpu.memory_space<vmem>> -> memref<72xi32, #tpu.memory_space<vmem>>
    %dma_start3A_48 = arith.constant 0 : i32
    %dma_start3A_49 = arith.constant 0 : i32
    %dma_start3A_50 = tpu.memref_slice %arg2[%dma_start3A_48, %dma_start3A_49] : memref<1000000x64xf32, #tpu.memory_space<hbm>> -> memref<1000000x64xf32, #tpu.memory_space<hbm>>
    tpu.enqueue_indirect_dma source(%dma_start3A_50 : memref<1000000x64xf32, #tpu.memory_space<hbm>>) target(%dma_start3A_44 : memref<72x64xf32, #tpu.memory_space<vmem>>) offsets(%dma_start3A_47 : memref<72xi32, #tpu.memory_space<vmem>>) semaphore(%arg14 : memref<!tpu.dma_semaphore, #tpu.memory_space<semaphore_mem>>)
    %dma_wait3A = arith.constant 0 : i32
    %dma_wait3A_51 = arith.constant 0 : i32
    %dma_wait3A_52 = arith.constant 0 : i32
    %dma_wait3A_53 = tpu.memref_slice %arg9[%dma_wait3A_51, %dma_wait3A_52] : memref<200x64xf32, #tpu.memory_space<vmem>> -> memref<128x64xf32, #tpu.memory_space<vmem>>
    %dma_wait3A_54 = arith.constant 0 : i32
    %dma_wait3A_55 = tpu.memref_slice %arg8[%dma_wait3A, %dma_wait3A_54] : memref<128x200xi32, #tpu.memory_space<vmem>> -> memref<1x128xi32, #tpu.memory_space<vmem>>
    %dma_wait3A_56 = tpu.memref_squeeze %dma_wait3A_55 : memref<1x128xi32, #tpu.memory_space<vmem>> -> memref<128xi32, #tpu.memory_space<vmem>>
    %dma_wait3A_57 = arith.constant 0 : i32
    %dma_wait3A_58 = arith.constant 0 : i32
    %dma_wait3A_59 = tpu.memref_slice %arg2[%dma_wait3A_57, %dma_wait3A_58] : memref<1000000x64xf32, #tpu.memory_space<hbm>> -> memref<1000000x64xf32, #tpu.memory_space<hbm>>
    tpu.wait_indirect_dma semaphore(%arg13 : memref<!tpu.dma_semaphore, #tpu.memory_space<semaphore_mem>>) src(%dma_wait3A_59 : memref<1000000x64xf32, #tpu.memory_space<hbm>>) dst(%dma_wait3A_53 : memref<128x64xf32, #tpu.memory_space<vmem>>)
    %dma_wait3A_60 = arith.constant 0 : i32
    %dma_wait3A_61 = arith.constant 128 : i32
    %dma_wait3A_62 = arith.constant 0 : i32
    %dma_wait3A_63 = tpu.memref_slice %arg9[%dma_wait3A_61, %dma_wait3A_62] : memref<200x64xf32, #tpu.memory_space<vmem>> -> memref<72x64xf32, #tpu.memory_space<vmem>>
    %dma_wait3A_64 = arith.constant 128 : i32
    %dma_wait3A_65 = tpu.memref_slice %arg8[%dma_wait3A_60, %dma_wait3A_64] : memref<128x200xi32, #tpu.memory_space<vmem>> -> memref<1x72xi32, #tpu.memory_space<vmem>>
    %dma_wait3A_66 = tpu.memref_squeeze %dma_wait3A_65 : memref<1x72xi32, #tpu.memory_space<vmem>> -> memref<72xi32, #tpu.memory_space<vmem>>
    %dma_wait3A_67 = arith.constant 0 : i32
    %dma_wait3A_68 = arith.constant 0 : i32
    %dma_wait3A_69 = tpu.memref_slice %arg2[%dma_wait3A_67, %dma_wait3A_68] : memref<1000000x64xf32, #tpu.memory_space<hbm>> -> memref<1000000x64xf32, #tpu.memory_space<hbm>>
    tpu.wait_indirect_dma semaphore(%arg13 : memref<!tpu.dma_semaphore, #tpu.memory_space<semaphore_mem>>) src(%dma_wait3A_69 : memref<1000000x64xf32, #tpu.memory_space<hbm>>) dst(%dma_wait3A_63 : memref<72x64xf32, #tpu.memory_space<vmem>>)
    %scan3A_70 = arith.constant 0 : i32
    %scan3A_71 = arith.constant 0 : i32
    %scan3A_72 = arith.constant 100 : i32
    %scan3A_73 = arith.addi %scan3A_71, %scan3A_72 : i32
    %scan3A_74 = arith.constant 1 : i32
    scf.for %scan3A_132 = %scan3A_71 to %scan3A_73 step %scan3A_74  : i32 {
      %mul3A_133 = arith.constant 2 : i32
      %mul3A_134 = arith.muli %mul3A_133, %scan3A_132 : i32
      %add3A_135 = arith.constant 0 : i32
      %add3A_136 = arith.addi %mul3A_134, %add3A_135 : i32
      %get3A = arith.index_cast %add3A_136 : i32 to index
      %get3A_137 = arith.constant 0 : index
      %get3A_138 = tpu.vector_load %arg9[%get3A, %get3A_137] {strides = array<i32>} : memref<200x64xf32, #tpu.memory_space<vmem>>, vector<16xf32>,
      %mul3A_139 = arith.constant 8.000000e+00 : f32
      %mul3A_140 = vector.broadcast %mul3A_139 : f32 to vector<16xf32>
      %mul3A_141 = arith.mulf %get3A_138, %mul3A_140 : vector<16xf32>
      %get3A_142 = arith.index_cast %add3A_136 : i32 to index
      %get3A_143 = arith.constant 0 : index
      %get3A_144 = tpu.vector_load %arg6[%get3A_142, %get3A_143] {strides = array<i32>} : memref<200x64xf32, #tpu.memory_space<vmem>>, vector<16xf32>,
      %add3A_145 = arith.addf %mul3A_141, %get3A_144 : vector<16xf32>
      %swap3A = arith.index_cast %scan3A_132 : i32 to index
      %swap3A_146 = arith.constant 0 : index
      %swap3A_147 = tpu.vector_load %arg11[%swap3A, %swap3A_146] {strides = array<i32>} : memref<100x128xf32, #tpu.memory_space<vmem>>, vector<16xf32>,
      tpu.vector_store %arg11[%swap3A, %swap3A_146], %add3A_145 {strides = array<i32>} : memref<100x128xf32, #tpu.memory_space<vmem>>, vector<16xf32>,
      %get3A_148 = arith.index_cast %add3A_136 : i32 to index
      %get3A_149 = arith.constant 16 : index
      %get3A_150 = tpu.vector_load %arg9[%get3A_148, %get3A_149] {strides = array<i32>} : memref<200x64xf32, #tpu.memory_space<vmem>>, vector<16xf32>,
      %mul3A_151 = arith.constant 8.000000e+00 : f32
      %mul3A_152 = vector.broadcast %mul3A_151 : f32 to vector<16xf32>
      %mul3A_153 = arith.mulf %get3A_150, %mul3A_152 : vector<16xf32>
      %get3A_154 = arith.index_cast %add3A_136 : i32 to index
      %get3A_155 = arith.constant 16 : index
      %get3A_156 = tpu.vector_load %arg6[%get3A_154, %get3A_155] {strides = array<i32>} : memref<200x64xf32, #tpu.memory_space<vmem>>, vector<16xf32>,
      %add3A_157 = arith.addf %mul3A_153, %get3A_156 : vector<16xf32>
      %swap3A_158 = arith.index_cast %scan3A_132 : i32 to index
      %swap3A_159 = arith.constant 16 : index
      %swap3A_160 = tpu.vector_load %arg11[%swap3A_158, %swap3A_159] {strides = array<i32>} : memref<100x128xf32, #tpu.memory_space<vmem>>, vector<16xf32>,
      tpu.vector_store %arg11[%swap3A_158, %swap3A_159], %add3A_157 {strides = array<i32>} : memref<100x128xf32, #tpu.memory_space<vmem>>, vector<16xf32>,
      %get3A_161 = arith.index_cast %add3A_136 : i32 to index
      %get3A_162 = arith.constant 32 : index
      %get3A_163 = tpu.vector_load %arg9[%get3A_161, %get3A_162] {strides = array<i32>} : memref<200x64xf32, #tpu.memory_space<vmem>>, vector<16xf32>,
      %mul3A_164 = arith.constant 8.000000e+00 : f32
      %mul3A_165 = vector.broadcast %mul3A_164 : f32 to vector<16xf32>
      %mul3A_166 = arith.mulf %get3A_163, %mul3A_165 : vector<16xf32>
      %get3A_167 = arith.index_cast %add3A_136 : i32 to index
      %get3A_168 = arith.constant 32 : index
      %get3A_169 = tpu.vector_load %arg6[%get3A_167, %get3A_168] {strides = array<i32>} : memref<200x64xf32, #tpu.memory_space<vmem>>, vector<16xf32>,
      %add3A_170 = arith.addf %mul3A_166, %get3A_169 : vector<16xf32>
      %swap3A_171 = arith.index_cast %scan3A_132 : i32 to index
      %swap3A_172 = arith.constant 32 : index
      %swap3A_173 = tpu.vector_load %arg11[%swap3A_171, %swap3A_172] {strides = array<i32>} : memref<100x128xf32, #tpu.memory_space<vmem>>, vector<16xf32>,
      tpu.vector_store %arg11[%swap3A_171, %swap3A_172], %add3A_170 {strides = array<i32>} : memref<100x128xf32, #tpu.memory_space<vmem>>, vector<16xf32>,
      %get3A_174 = arith.index_cast %add3A_136 : i32 to index
      %get3A_175 = arith.constant 48 : index
      %get3A_176 = tpu.vector_load %arg9[%get3A_174, %get3A_175] {strides = array<i32>} : memref<200x64xf32, #tpu.memory_space<vmem>>, vector<16xf32>,
      %mul3A_177 = arith.constant 8.000000e+00 : f32
      %mul3A_178 = vector.broadcast %mul3A_177 : f32 to vector<16xf32>
      %mul3A_179 = arith.mulf %get3A_176, %mul3A_178 : vector<16xf32>
      %get3A_180 = arith.index_cast %add3A_136 : i32 to index
      %get3A_181 = arith.constant 48 : index
      %get3A_182 = tpu.vector_load %arg6[%get3A_180, %get3A_181] {strides = array<i32>} : memref<200x64xf32, #tpu.memory_space<vmem>>, vector<16xf32>,
      %add3A_183 = arith.addf %mul3A_179, %get3A_182 : vector<16xf32>
      %swap3A_184 = arith.index_cast %scan3A_132 : i32 to index
      %swap3A_185 = arith.constant 48 : index
      %swap3A_186 = tpu.vector_load %arg11[%swap3A_184, %swap3A_185] {strides = array<i32>} : memref<100x128xf32, #tpu.memory_space<vmem>>, vector<16xf32>,
      tpu.vector_store %arg11[%swap3A_184, %swap3A_185], %add3A_183 {strides = array<i32>} : memref<100x128xf32, #tpu.memory_space<vmem>>, vector<16xf32>,
      %mul3A_187 = arith.constant 2 : i32
      %mul3A_188 = arith.muli %mul3A_187, %scan3A_132 : i32
      %add3A_189 = arith.constant 1 : i32
      %add3A_190 = arith.addi %mul3A_188, %add3A_189 : i32
      %get3A_191 = arith.index_cast %add3A_190 : i32 to index
      %get3A_192 = arith.constant 0 : index
      %get3A_193 = tpu.vector_load %arg9[%get3A_191, %get3A_192] {strides = array<i32>} : memref<200x64xf32, #tpu.memory_space<vmem>>, vector<16xf32>,
      %mul3A_194 = arith.constant 8.000000e+00 : f32
      %mul3A_195 = vector.broadcast %mul3A_194 : f32 to vector<16xf32>
      %mul3A_196 = arith.mulf %get3A_193, %mul3A_195 : vector<16xf32>
      %get3A_197 = arith.index_cast %add3A_190 : i32 to index
      %get3A_198 = arith.constant 0 : index
      %get3A_199 = tpu.vector_load %arg6[%get3A_197, %get3A_198] {strides = array<i32>} : memref<200x64xf32, #tpu.memory_space<vmem>>, vector<16xf32>,
      %add3A_200 = arith.addf %mul3A_196, %get3A_199 : vector<16xf32>
      %swap3A_201 = arith.index_cast %scan3A_132 : i32 to index
      %swap3A_202 = arith.constant 64 : index
      %swap3A_203 = tpu.vector_load %arg11[%swap3A_201, %swap3A_202] {strides = array<i32>} : memref<100x128xf32, #tpu.memory_space<vmem>>, vector<16xf32>,
      tpu.vector_store %arg11[%swap3A_201, %swap3A_202], %add3A_200 {strides = array<i32>} : memref<100x128xf32, #tpu.memory_space<vmem>>, vector<16xf32>,
      %get3A_204 = arith.index_cast %add3A_190 : i32 to index
      %get3A_205 = arith.constant 16 : index
      %get3A_206 = tpu.vector_load %arg9[%get3A_204, %get3A_205] {strides = array<i32>} : memref<200x64xf32, #tpu.memory_space<vmem>>, vector<16xf32>,
      %mul3A_207 = arith.constant 8.000000e+00 : f32
      %mul3A_208 = vector.broadcast %mul3A_207 : f32 to vector<16xf32>
      %mul3A_209 = arith.mulf %get3A_206, %mul3A_208 : vector<16xf32>
      %get3A_210 = arith.index_cast %add3A_190 : i32 to index
      %get3A_211 = arith.constant 16 : index
      %get3A_212 = tpu.vector_load %arg6[%get3A_210, %get3A_211] {strides = array<i32>} : memref<200x64xf32, #tpu.memory_space<vmem>>, vector<16xf32>,
      %add3A_213 = arith.addf %mul3A_209, %get3A_212 : vector<16xf32>
      %swap3A_214 = arith.index_cast %scan3A_132 : i32 to index
      %swap3A_215 = arith.constant 80 : index
      %swap3A_216 = tpu.vector_load %arg11[%swap3A_214, %swap3A_215] {strides = array<i32>} : memref<100x128xf32, #tpu.memory_space<vmem>>, vector<16xf32>,
      tpu.vector_store %arg11[%swap3A_214, %swap3A_215], %add3A_213 {strides = array<i32>} : memref<100x128xf32, #tpu.memory_space<vmem>>, vector<16xf32>,
      %get3A_217 = arith.index_cast %add3A_190 : i32 to index
      %get3A_218 = arith.constant 32 : index
      %get3A_219 = tpu.vector_load %arg9[%get3A_217, %get3A_218] {strides = array<i32>} : memref<200x64xf32, #tpu.memory_space<vmem>>, vector<16xf32>,
      %mul3A_220 = arith.constant 8.000000e+00 : f32
      %mul3A_221 = vector.broadcast %mul3A_220 : f32 to vector<16xf32>
      %mul3A_222 = arith.mulf %get3A_219, %mul3A_221 : vector<16xf32>
      %get3A_223 = arith.index_cast %add3A_190 : i32 to index
      %get3A_224 = arith.constant 32 : index
      %get3A_225 = tpu.vector_load %arg6[%get3A_223, %get3A_224] {strides = array<i32>} : memref<200x64xf32, #tpu.memory_space<vmem>>, vector<16xf32>,
      %add3A_226 = arith.addf %mul3A_222, %get3A_225 : vector<16xf32>
      %swap3A_227 = arith.index_cast %scan3A_132 : i32 to index
      %swap3A_228 = arith.constant 96 : index
      %swap3A_229 = tpu.vector_load %arg11[%swap3A_227, %swap3A_228] {strides = array<i32>} : memref<100x128xf32, #tpu.memory_space<vmem>>, vector<16xf32>,
      tpu.vector_store %arg11[%swap3A_227, %swap3A_228], %add3A_226 {strides = array<i32>} : memref<100x128xf32, #tpu.memory_space<vmem>>, vector<16xf32>,
      %get3A_230 = arith.index_cast %add3A_190 : i32 to index
      %get3A_231 = arith.constant 48 : index
      %get3A_232 = tpu.vector_load %arg9[%get3A_230, %get3A_231] {strides = array<i32>} : memref<200x64xf32, #tpu.memory_space<vmem>>, vector<16xf32>,
      %mul3A_233 = arith.constant 8.000000e+00 : f32
      %mul3A_234 = vector.broadcast %mul3A_233 : f32 to vector<16xf32>
      %mul3A_235 = arith.mulf %get3A_232, %mul3A_234 : vector<16xf32>
      %get3A_236 = arith.index_cast %add3A_190 : i32 to index
      %get3A_237 = arith.constant 48 : index
      %get3A_238 = tpu.vector_load %arg6[%get3A_236, %get3A_237] {strides = array<i32>} : memref<200x64xf32, #tpu.memory_space<vmem>>, vector<16xf32>,
      %add3A_239 = arith.addf %mul3A_235, %get3A_238 : vector<16xf32>
      %swap3A_240 = arith.index_cast %scan3A_132 : i32 to index
      %swap3A_241 = arith.constant 112 : index
      %swap3A_242 = tpu.vector_load %arg11[%swap3A_240, %swap3A_241] {strides = array<i32>} : memref<100x128xf32, #tpu.memory_space<vmem>>, vector<16xf32>,
      tpu.vector_store %arg11[%swap3A_240, %swap3A_241], %add3A_239 {strides = array<i32>} : memref<100x128xf32, #tpu.memory_space<vmem>>, vector<16xf32>,
    }
    %scan3A_75 = arith.constant 100 : i32
    %add3A_76 = arith.constant 0 : i32
    %add3A_77 = arith.addi %mul3A_6, %add3A_76 : i32
    %dma_start3A_78 = arith.constant 0 : i32
    %dma_start3A_79 = tpu.memref_slice %arg5[%add3A_77, %dma_start3A_78] : memref<409600x128xf32, #tpu.memory_space<hbm>> -> memref<100x128xf32, #tpu.memory_space<hbm>>
    %dma_start3A_80 = arith.constant 0 : i32
    %dma_start3A_81 = tpu.memref_slice %arg5[%add3A_77, %dma_start3A_80] : memref<409600x128xf32, #tpu.memory_space<hbm>> -> memref<100x128xf32, #tpu.memory_space<hbm>>
    tpu.enqueue_dma source(%arg11 : memref<100x128xf32, #tpu.memory_space<vmem>>) target(%dma_start3A_81 : memref<100x128xf32, #tpu.memory_space<hbm>>) target_semaphore(%arg15 : memref<!tpu.dma_semaphore, #tpu.memory_space<semaphore_mem>>)
    %scan3A_82 = arith.constant 0 : i32
    %scan3A_83 = arith.constant 0 : i32
    %scan3A_84 = arith.constant 63 : i32
    %scan3A_85 = arith.addi %scan3A_83, %scan3A_84 : i32
    %scan3A_86 = arith.constant 1 : i32
    scf.for %scan3A_132 = %scan3A_83 to %scan3A_85 step %scan3A_86  : i32 {
      %mul3A_133 = arith.constant 2 : i32
      %mul3A_134 = arith.muli %mul3A_133, %scan3A_132 : i32
      %add3A_135 = arith.constant 1 : i32
      %add3A_136 = arith.addi %mul3A_134, %add3A_135 : i32
      %sub3A = arith.constant 1 : i32
      %sub3A_137 = arith.subi %add3A_136, %sub3A : i32
      %mul3A_138 = arith.constant 100 : i32
      %mul3A_139 = arith.muli %sub3A_137, %mul3A_138 : i32
      %add3A_140 = arith.addi %mul3A_6, %mul3A_139 : i32
      %dma_wait3A_141 = arith.constant 0 : i32
      %dma_wait3A_142 = tpu.memref_slice %arg5[%add3A_140, %dma_wait3A_141] : memref<409600x128xf32, #tpu.memory_space<hbm>> -> memref<100x128xf32, #tpu.memory_space<hbm>>
      %dma_wait3A_143 = arith.constant 0 : i32
      %dma_wait3A_144 = tpu.memref_slice %arg5[%add3A_140, %dma_wait3A_143] : memref<409600x128xf32, #tpu.memory_space<hbm>> -> memref<100x128xf32, #tpu.memory_space<hbm>>
      tpu.wait_dma2 semaphore(%arg15 : memref<!tpu.dma_semaphore, #tpu.memory_space<semaphore_mem>>) src(%arg11 : memref<100x128xf32, #tpu.memory_space<vmem>>) dst(%dma_wait3A_144 : memref<100x128xf32, #tpu.memory_space<hbm>>)
      %add3A_145 = arith.constant 1 : i32
      %add3A_146 = arith.addi %add3A_136, %add3A_145 : i32
      %dma_start3A_147 = arith.constant 0 : i32
      %dma_start3A_148 = arith.constant 0 : i32
      %dma_start3A_149 = tpu.memref_slice %arg9[%dma_start3A_147, %dma_start3A_148] : memref<200x64xf32, #tpu.memory_space<vmem>> -> memref<128x64xf32, #tpu.memory_space<vmem>>
      %dma_start3A_150 = arith.constant 0 : i32
      %dma_start3A_151 = tpu.memref_slice %arg8[%add3A_146, %dma_start3A_150] : memref<128x200xi32, #tpu.memory_space<vmem>> -> memref<1x128xi32, #tpu.memory_space<vmem>>
      %dma_start3A_152 = tpu.memref_squeeze %dma_start3A_151 : memref<1x128xi32, #tpu.memory_space<vmem>> -> memref<128xi32, #tpu.memory_space<vmem>>
      %dma_start3A_153 = arith.constant 0 : i32
      %dma_start3A_154 = arith.constant 0 : i32
      %dma_start3A_155 = tpu.memref_slice %arg2[%dma_start3A_153, %dma_start3A_154] : memref<1000000x64xf32, #tpu.memory_space<hbm>> -> memref<1000000x64xf32, #tpu.memory_space<hbm>>
      tpu.enqueue_indirect_dma source(%dma_start3A_155 : memref<1000000x64xf32, #tpu.memory_space<hbm>>) target(%dma_start3A_149 : memref<128x64xf32, #tpu.memory_space<vmem>>) offsets(%dma_start3A_152 : memref<128xi32, #tpu.memory_space<vmem>>) semaphore(%arg13 : memref<!tpu.dma_semaphore, #tpu.memory_space<semaphore_mem>>)
      %dma_start3A_156 = arith.constant 128 : i32
      %dma_start3A_157 = arith.constant 0 : i32
      %dma_start3A_158 = tpu.memref_slice %arg9[%dma_start3A_156, %dma_start3A_157] : memref<200x64xf32, #tpu.memory_space<vmem>> -> memref<72x64xf32, #tpu.memory_space<vmem>>
      %dma_start3A_159 = arith.constant 128 : i32
      %dma_start3A_160 = tpu.memref_slice %arg8[%add3A_146, %dma_start3A_159] : memref<128x200xi32, #tpu.memory_space<vmem>> -> memref<1x72xi32, #tpu.memory_space<vmem>>
      %dma_start3A_161 = tpu.memref_squeeze %dma_start3A_160 : memref<1x72xi32, #tpu.memory_space<vmem>> -> memref<72xi32, #tpu.memory_space<vmem>>
      %dma_start3A_162 = arith.constant 0 : i32
      %dma_start3A_163 = arith.constant 0 : i32
      %dma_start3A_164 = tpu.memref_slice %arg2[%dma_start3A_162, %dma_start3A_163] : memref<1000000x64xf32, #tpu.memory_space<hbm>> -> memref<1000000x64xf32, #tpu.memory_space<hbm>>
      tpu.enqueue_indirect_dma source(%dma_start3A_164 : memref<1000000x64xf32, #tpu.memory_space<hbm>>) target(%dma_start3A_158 : memref<72x64xf32, #tpu.memory_space<vmem>>) offsets(%dma_start3A_161 : memref<72xi32, #tpu.memory_space<vmem>>) semaphore(%arg13 : memref<!tpu.dma_semaphore, #tpu.memory_space<semaphore_mem>>)
      %dma_wait3A_165 = arith.constant 0 : i32
      %dma_wait3A_166 = arith.constant 0 : i32
      %dma_wait3A_167 = tpu.memref_slice %arg10[%dma_wait3A_165, %dma_wait3A_166] : memref<200x64xf32, #tpu.memory_space<vmem>> -> memref<128x64xf32, #tpu.memory_space<vmem>>
      %dma_wait3A_168 = arith.constant 0 : i32
      %dma_wait3A_169 = tpu.memref_slice %arg8[%add3A_136, %dma_wait3A_168] : memref<128x200xi32, #tpu.memory_space<vmem>> -> memref<1x128xi32, #tpu.memory_space<vmem>>
      %dma_wait3A_170 = tpu.memref_squeeze %dma_wait3A_169 : memref<1x128xi32, #tpu.memory_space<vmem>> -> memref<128xi32, #tpu.memory_space<vmem>>
      %dma_wait3A_171 = arith.constant 0 : i32
      %dma_wait3A_172 = arith.constant 0 : i32
      %dma_wait3A_173 = tpu.memref_slice %arg2[%dma_wait3A_171, %dma_wait3A_172] : memref<1000000x64xf32, #tpu.memory_space<hbm>> -> memref<1000000x64xf32, #tpu.memory_space<hbm>>
      tpu.wait_indirect_dma semaphore(%arg14 : memref<!tpu.dma_semaphore, #tpu.memory_space<semaphore_mem>>) src(%dma_wait3A_173 : memref<1000000x64xf32, #tpu.memory_space<hbm>>) dst(%dma_wait3A_167 : memref<128x64xf32, #tpu.memory_space<vmem>>)
      %dma_wait3A_174 = arith.constant 128 : i32
      %dma_wait3A_175 = arith.constant 0 : i32
      %dma_wait3A_176 = tpu.memref_slice %arg10[%dma_wait3A_174, %dma_wait3A_175] : memref<200x64xf32, #tpu.memory_space<vmem>> -> memref<72x64xf32, #tpu.memory_space<vmem>>
      %dma_wait3A_177 = arith.constant 128 : i32
      %dma_wait3A_178 = tpu.memref_slice %arg8[%add3A_136, %dma_wait3A_177] : memref<128x200xi32, #tpu.memory_space<vmem>> -> memref<1x72xi32, #tpu.memory_space<vmem>>
      %dma_wait3A_179 = tpu.memref_squeeze %dma_wait3A_178 : memref<1x72xi32, #tpu.memory_space<vmem>> -> memref<72xi32, #tpu.memory_space<vmem>>
      %dma_wait3A_180 = arith.constant 0 : i32
      %dma_wait3A_181 = arith.constant 0 : i32
      %dma_wait3A_182 = tpu.memref_slice %arg2[%dma_wait3A_180, %dma_wait3A_181] : memref<1000000x64xf32, #tpu.memory_space<hbm>> -> memref<1000000x64xf32, #tpu.memory_space<hbm>>
      tpu.wait_indirect_dma semaphore(%arg14 : memref<!tpu.dma_semaphore, #tpu.memory_space<semaphore_mem>>) src(%dma_wait3A_182 : memref<1000000x64xf32, #tpu.memory_space<hbm>>) dst(%dma_wait3A_176 : memref<72x64xf32, #tpu.memory_space<vmem>>)
      %scan3A_183 = arith.constant 0 : i32
      %scan3A_184 = arith.constant 0 : i32
      %scan3A_185 = arith.constant 100 : i32
      %scan3A_186 = arith.addi %scan3A_184, %scan3A_185 : i32
      %scan3A_187 = arith.constant 1 : i32
      scf.for %scan3A_260 = %scan3A_184 to %scan3A_186 step %scan3A_187  : i32 {
        %mul3A_261 = arith.constant 2 : i32
        %mul3A_262 = arith.muli %mul3A_261, %scan3A_260 : i32
        %add3A_263 = arith.constant 0 : i32
        %add3A_264 = arith.addi %mul3A_262, %add3A_263 : i32
        %get3A = arith.index_cast %add3A_264 : i32 to index
        %get3A_265 = arith.constant 0 : index
        %get3A_266 = tpu.vector_load %arg10[%get3A, %get3A_265] {strides = array<i32>} : memref<200x64xf32, #tpu.memory_space<vmem>>, vector<16xf32>,
        %mul3A_267 = arith.constant 8.000000e+00 : f32
        %mul3A_268 = vector.broadcast %mul3A_267 : f32 to vector<16xf32>
        %mul3A_269 = arith.mulf %get3A_266, %mul3A_268 : vector<16xf32>
        %get3A_270 = arith.index_cast %add3A_264 : i32 to index
        %get3A_271 = arith.constant 0 : index
        %get3A_272 = tpu.vector_load %arg6[%get3A_270, %get3A_271] {strides = array<i32>} : memref<200x64xf32, #tpu.memory_space<vmem>>, vector<16xf32>,
        %add3A_273 = arith.addf %mul3A_269, %get3A_272 : vector<16xf32>
        %swap3A = arith.index_cast %scan3A_260 : i32 to index
        %swap3A_274 = arith.constant 0 : index
        %swap3A_275 = tpu.vector_load %arg12[%swap3A, %swap3A_274] {strides = array<i32>} : memref<100x128xf32, #tpu.memory_space<vmem>>, vector<16xf32>,
        tpu.vector_store %arg12[%swap3A, %swap3A_274], %add3A_273 {strides = array<i32>} : memref<100x128xf32, #tpu.memory_space<vmem>>, vector<16xf32>,
        %get3A_276 = arith.index_cast %add3A_264 : i32 to index
        %get3A_277 = arith.constant 16 : index
        %get3A_278 = tpu.vector_load %arg10[%get3A_276, %get3A_277] {strides = array<i32>} : memref<200x64xf32, #tpu.memory_space<vmem>>, vector<16xf32>,
        %mul3A_279 = arith.constant 8.000000e+00 : f32
        %mul3A_280 = vector.broadcast %mul3A_279 : f32 to vector<16xf32>
        %mul3A_281 = arith.mulf %get3A_278, %mul3A_280 : vector<16xf32>
        %get3A_282 = arith.index_cast %add3A_264 : i32 to index
        %get3A_283 = arith.constant 16 : index
        %get3A_284 = tpu.vector_load %arg6[%get3A_282, %get3A_283] {strides = array<i32>} : memref<200x64xf32, #tpu.memory_space<vmem>>, vector<16xf32>,
        %add3A_285 = arith.addf %mul3A_281, %get3A_284 : vector<16xf32>
        %swap3A_286 = arith.index_cast %scan3A_260 : i32 to index
        %swap3A_287 = arith.constant 16 : index
        %swap3A_288 = tpu.vector_load %arg12[%swap3A_286, %swap3A_287] {strides = array<i32>} : memref<100x128xf32, #tpu.memory_space<vmem>>, vector<16xf32>,
        tpu.vector_store %arg12[%swap3A_286, %swap3A_287], %add3A_285 {strides = array<i32>} : memref<100x128xf32, #tpu.memory_space<vmem>>, vector<16xf32>,
        %get3A_289 = arith.index_cast %add3A_264 : i32 to index
        %get3A_290 = arith.constant 32 : index
        %get3A_291 = tpu.vector_load %arg10[%get3A_289, %get3A_290] {strides = array<i32>} : memref<200x64xf32, #tpu.memory_space<vmem>>, vector<16xf32>,
        %mul3A_292 = arith.constant 8.000000e+00 : f32
        %mul3A_293 = vector.broadcast %mul3A_292 : f32 to vector<16xf32>
        %mul3A_294 = arith.mulf %get3A_291, %mul3A_293 : vector<16xf32>
        %get3A_295 = arith.index_cast %add3A_264 : i32 to index
        %get3A_296 = arith.constant 32 : index
        %get3A_297 = tpu.vector_load %arg6[%get3A_295, %get3A_296] {strides = array<i32>} : memref<200x64xf32, #tpu.memory_space<vmem>>, vector<16xf32>,
        %add3A_298 = arith.addf %mul3A_294, %get3A_297 : vector<16xf32>
        %swap3A_299 = arith.index_cast %scan3A_260 : i32 to index
        %swap3A_300 = arith.constant 32 : index
        %swap3A_301 = tpu.vector_load %arg12[%swap3A_299, %swap3A_300] {strides = array<i32>} : memref<100x128xf32, #tpu.memory_space<vmem>>, vector<16xf32>,
        tpu.vector_store %arg12[%swap3A_299, %swap3A_300], %add3A_298 {strides = array<i32>} : memref<100x128xf32, #tpu.memory_space<vmem>>, vector<16xf32>,
        %get3A_302 = arith.index_cast %add3A_264 : i32 to index
        %get3A_303 = arith.constant 48 : index
        %get3A_304 = tpu.vector_load %arg10[%get3A_302, %get3A_303] {strides = array<i32>} : memref<200x64xf32, #tpu.memory_space<vmem>>, vector<16xf32>,
        %mul3A_305 = arith.constant 8.000000e+00 : f32
        %mul3A_306 = vector.broadcast %mul3A_305 : f32 to vector<16xf32>
        %mul3A_307 = arith.mulf %get3A_304, %mul3A_306 : vector<16xf32>
        %get3A_308 = arith.index_cast %add3A_264 : i32 to index
        %get3A_309 = arith.constant 48 : index
        %get3A_310 = tpu.vector_load %arg6[%get3A_308, %get3A_309] {strides = array<i32>} : memref<200x64xf32, #tpu.memory_space<vmem>>, vector<16xf32>,
        %add3A_311 = arith.addf %mul3A_307, %get3A_310 : vector<16xf32>
        %swap3A_312 = arith.index_cast %scan3A_260 : i32 to index
        %swap3A_313 = arith.constant 48 : index
        %swap3A_314 = tpu.vector_load %arg12[%swap3A_312, %swap3A_313] {strides = array<i32>} : memref<100x128xf32, #tpu.memory_space<vmem>>, vector<16xf32>,
        tpu.vector_store %arg12[%swap3A_312, %swap3A_313], %add3A_311 {strides = array<i32>} : memref<100x128xf32, #tpu.memory_space<vmem>>, vector<16xf32>,
        %mul3A_315 = arith.constant 2 : i32
        %mul3A_316 = arith.muli %mul3A_315, %scan3A_260 : i32
        %add3A_317 = arith.constant 1 : i32
        %add3A_318 = arith.addi %mul3A_316, %add3A_317 : i32
        %get3A_319 = arith.index_cast %add3A_318 : i32 to index
        %get3A_320 = arith.constant 0 : index
        %get3A_321 = tpu.vector_load %arg10[%get3A_319, %get3A_320] {strides = array<i32>} : memref<200x64xf32, #tpu.memory_space<vmem>>, vector<16xf32>,
        %mul3A_322 = arith.constant 8.000000e+00 : f32
        %mul3A_323 = vector.broadcast %mul3A_322 : f32 to vector<16xf32>
        %mul3A_324 = arith.mulf %get3A_321, %mul3A_323 : vector<16xf32>
        %get3A_325 = arith.index_cast %add3A_318 : i32 to index
        %get3A_326 = arith.constant 0 : index
        %get3A_327 = tpu.vector_load %arg6[%get3A_325, %get3A_326] {strides = array<i32>} : memref<200x64xf32, #tpu.memory_space<vmem>>, vector<16xf32>,
        %add3A_328 = arith.addf %mul3A_324, %get3A_327 : vector<16xf32>
        %swap3A_329 = arith.index_cast %scan3A_260 : i32 to index
        %swap3A_330 = arith.constant 64 : index
        %swap3A_331 = tpu.vector_load %arg12[%swap3A_329, %swap3A_330] {strides = array<i32>} : memref<100x128xf32, #tpu.memory_space<vmem>>, vector<16xf32>,
        tpu.vector_store %arg12[%swap3A_329, %swap3A_330], %add3A_328 {strides = array<i32>} : memref<100x128xf32, #tpu.memory_space<vmem>>, vector<16xf32>,
        %get3A_332 = arith.index_cast %add3A_318 : i32 to index
        %get3A_333 = arith.constant 16 : index
        %get3A_334 = tpu.vector_load %arg10[%get3A_332, %get3A_333] {strides = array<i32>} : memref<200x64xf32, #tpu.memory_space<vmem>>, vector<16xf32>,
        %mul3A_335 = arith.constant 8.000000e+00 : f32
        %mul3A_336 = vector.broadcast %mul3A_335 : f32 to vector<16xf32>
        %mul3A_337 = arith.mulf %get3A_334, %mul3A_336 : vector<16xf32>
        %get3A_338 = arith.index_cast %add3A_318 : i32 to index
        %get3A_339 = arith.constant 16 : index
        %get3A_340 = tpu.vector_load %arg6[%get3A_338, %get3A_339] {strides = array<i32>} : memref<200x64xf32, #tpu.memory_space<vmem>>, vector<16xf32>,
        %add3A_341 = arith.addf %mul3A_337, %get3A_340 : vector<16xf32>
        %swap3A_342 = arith.index_cast %scan3A_260 : i32 to index
        %swap3A_343 = arith.constant 80 : index
        %swap3A_344 = tpu.vector_load %arg12[%swap3A_342, %swap3A_343] {strides = array<i32>} : memref<100x128xf32, #tpu.memory_space<vmem>>, vector<16xf32>,
        tpu.vector_store %arg12[%swap3A_342, %swap3A_343], %add3A_341 {strides = array<i32>} : memref<100x128xf32, #tpu.memory_space<vmem>>, vector<16xf32>,
        %get3A_345 = arith.index_cast %add3A_318 : i32 to index
        %get3A_346 = arith.constant 32 : index
        %get3A_347 = tpu.vector_load %arg10[%get3A_345, %get3A_346] {strides = array<i32>} : memref<200x64xf32, #tpu.memory_space<vmem>>, vector<16xf32>,
        %mul3A_348 = arith.constant 8.000000e+00 : f32
        %mul3A_349 = vector.broadcast %mul3A_348 : f32 to vector<16xf32>
        %mul3A_350 = arith.mulf %get3A_347, %mul3A_349 : vector<16xf32>
        %get3A_351 = arith.index_cast %add3A_318 : i32 to index
        %get3A_352 = arith.constant 32 : index
        %get3A_353 = tpu.vector_load %arg6[%get3A_351, %get3A_352] {strides = array<i32>} : memref<200x64xf32, #tpu.memory_space<vmem>>, vector<16xf32>,
        %add3A_354 = arith.addf %mul3A_350, %get3A_353 : vector<16xf32>
        %swap3A_355 = arith.index_cast %scan3A_260 : i32 to index
        %swap3A_356 = arith.constant 96 : index
        %swap3A_357 = tpu.vector_load %arg12[%swap3A_355, %swap3A_356] {strides = array<i32>} : memref<100x128xf32, #tpu.memory_space<vmem>>, vector<16xf32>,
        tpu.vector_store %arg12[%swap3A_355, %swap3A_356], %add3A_354 {strides = array<i32>} : memref<100x128xf32, #tpu.memory_space<vmem>>, vector<16xf32>,
        %get3A_358 = arith.index_cast %add3A_318 : i32 to index
        %get3A_359 = arith.constant 48 : index
        %get3A_360 = tpu.vector_load %arg10[%get3A_358, %get3A_359] {strides = array<i32>} : memref<200x64xf32, #tpu.memory_space<vmem>>, vector<16xf32>,
        %mul3A_361 = arith.constant 8.000000e+00 : f32
        %mul3A_362 = vector.broadcast %mul3A_361 : f32 to vector<16xf32>
        %mul3A_363 = arith.mulf %get3A_360, %mul3A_362 : vector<16xf32>
        %get3A_364 = arith.index_cast %add3A_318 : i32 to index
        %get3A_365 = arith.constant 48 : index
        %get3A_366 = tpu.vector_load %arg6[%get3A_364, %get3A_365] {strides = array<i32>} : memref<200x64xf32, #tpu.memory_space<vmem>>, vector<16xf32>,
        %add3A_367 = arith.addf %mul3A_363, %get3A_366 : vector<16xf32>
        %swap3A_368 = arith.index_cast %scan3A_260 : i32 to index
        %swap3A_369 = arith.constant 112 : index
        %swap3A_370 = tpu.vector_load %arg12[%swap3A_368, %swap3A_369] {strides = array<i32>} : memref<100x128xf32, #tpu.memory_space<vmem>>, vector<16xf32>,
        tpu.vector_store %arg12[%swap3A_368, %swap3A_369], %add3A_367 {strides = array<i32>} : memref<100x128xf32, #tpu.memory_space<vmem>>, vector<16xf32>,
      }
      %scan3A_188 = arith.constant 100 : i32
      %mul3A_189 = arith.constant 100 : i32
      %mul3A_190 = arith.muli %add3A_136, %mul3A_189 : i32
      %add3A_191 = arith.addi %mul3A_6, %mul3A_190 : i32
      %dma_start3A_192 = arith.constant 0 : i32
      %dma_start3A_193 = tpu.memref_slice %arg5[%add3A_191, %dma_start3A_192] : memref<409600x128xf32, #tpu.memory_space<hbm>> -> memref<100x128xf32, #tpu.memory_space<hbm>>
      %dma_start3A_194 = arith.constant 0 : i32
      %dma_start3A_195 = tpu.memref_slice %arg5[%add3A_191, %dma_start3A_194] : memref<409600x128xf32, #tpu.memory_space<hbm>> -> memref<100x128xf32, #tpu.memory_space<hbm>>
      tpu.enqueue_dma source(%arg12 : memref<100x128xf32, #tpu.memory_space<vmem>>) target(%dma_start3A_195 : memref<100x128xf32, #tpu.memory_space<hbm>>) target_semaphore(%arg16 : memref<!tpu.dma_semaphore, #tpu.memory_space<semaphore_mem>>)
      %mul3A_196 = arith.constant 2 : i32
      %mul3A_197 = arith.muli %mul3A_196, %scan3A_132 : i32
      %add3A_198 = arith.constant 2 : i32
      %add3A_199 = arith.addi %mul3A_197, %add3A_198 : i32
      %sub3A_200 = arith.constant 1 : i32
      %sub3A_201 = arith.subi %add3A_199, %sub3A_200 : i32
      %mul3A_202 = arith.constant 100 : i32
      %mul3A_203 = arith.muli %sub3A_201, %mul3A_202 : i32
      %add3A_204 = arith.addi %mul3A_6, %mul3A_203 : i32
      %dma_wait3A_205 = arith.constant 0 : i32
      %dma_wait3A_206 = tpu.memref_slice %arg5[%add3A_204, %dma_wait3A_205] : memref<409600x128xf32, #tpu.memory_space<hbm>> -> memref<100x128xf32, #tpu.memory_space<hbm>>
      %dma_wait3A_207 = arith.constant 0 : i32
      %dma_wait3A_208 = tpu.memref_slice %arg5[%add3A_204, %dma_wait3A_207] : memref<409600x128xf32, #tpu.memory_space<hbm>> -> memref<100x128xf32, #tpu.memory_space<hbm>>
      tpu.wait_dma2 semaphore(%arg16 : memref<!tpu.dma_semaphore, #tpu.memory_space<semaphore_mem>>) src(%arg12 : memref<100x128xf32, #tpu.memory_space<vmem>>) dst(%dma_wait3A_208 : memref<100x128xf32, #tpu.memory_space<hbm>>)
      %add3A_209 = arith.constant 1 : i32
      %add3A_210 = arith.addi %add3A_199, %add3A_209 : i32
      %dma_start3A_211 = arith.constant 0 : i32
      %dma_start3A_212 = arith.constant 0 : i32
      %dma_start3A_213 = tpu.memref_slice %arg10[%dma_start3A_211, %dma_start3A_212] : memref<200x64xf32, #tpu.memory_space<vmem>> -> memref<128x64xf32, #tpu.memory_space<vmem>>
      %dma_start3A_214 = arith.constant 0 : i32
      %dma_start3A_215 = tpu.memref_slice %arg8[%add3A_210, %dma_start3A_214] : memref<128x200xi32, #tpu.memory_space<vmem>> -> memref<1x128xi32, #tpu.memory_space<vmem>>
      %dma_start3A_216 = tpu.memref_squeeze %dma_start3A_215 : memref<1x128xi32, #tpu.memory_space<vmem>> -> memref<128xi32, #tpu.memory_space<vmem>>
      %dma_start3A_217 = arith.constant 0 : i32
      %dma_start3A_218 = arith.constant 0 : i32
      %dma_start3A_219 = tpu.memref_slice %arg2[%dma_start3A_217, %dma_start3A_218] : memref<1000000x64xf32, #tpu.memory_space<hbm>> -> memref<1000000x64xf32, #tpu.memory_space<hbm>>
      tpu.enqueue_indirect_dma source(%dma_start3A_219 : memref<1000000x64xf32, #tpu.memory_space<hbm>>) target(%dma_start3A_213 : memref<128x64xf32, #tpu.memory_space<vmem>>) offsets(%dma_start3A_216 : memref<128xi32, #tpu.memory_space<vmem>>) semaphore(%arg14 : memref<!tpu.dma_semaphore, #tpu.memory_space<semaphore_mem>>)
      %dma_start3A_220 = arith.constant 128 : i32
      %dma_start3A_221 = arith.constant 0 : i32
      %dma_start3A_222 = tpu.memref_slice %arg10[%dma_start3A_220, %dma_start3A_221] : memref<200x64xf32, #tpu.memory_space<vmem>> -> memref<72x64xf32, #tpu.memory_space<vmem>>
      %dma_start3A_223 = arith.constant 128 : i32
      %dma_start3A_224 = tpu.memref_slice %arg8[%add3A_210, %dma_start3A_223] : memref<128x200xi32, #tpu.memory_space<vmem>> -> memref<1x72xi32, #tpu.memory_space<vmem>>
      %dma_start3A_225 = tpu.memref_squeeze %dma_start3A_224 : memref<1x72xi32, #tpu.memory_space<vmem>> -> memref<72xi32, #tpu.memory_space<vmem>>
      %dma_start3A_226 = arith.constant 0 : i32
      %dma_start3A_227 = arith.constant 0 : i32
      %dma_start3A_228 = tpu.memref_slice %arg2[%dma_start3A_226, %dma_start3A_227] : memref<1000000x64xf32, #tpu.memory_space<hbm>> -> memref<1000000x64xf32, #tpu.memory_space<hbm>>
      tpu.enqueue_indirect_dma source(%dma_start3A_228 : memref<1000000x64xf32, #tpu.memory_space<hbm>>) target(%dma_start3A_222 : memref<72x64xf32, #tpu.memory_space<vmem>>) offsets(%dma_start3A_225 : memref<72xi32, #tpu.memory_space<vmem>>) semaphore(%arg14 : memref<!tpu.dma_semaphore, #tpu.memory_space<semaphore_mem>>)
      %dma_wait3A_229 = arith.constant 0 : i32
      %dma_wait3A_230 = arith.constant 0 : i32
      %dma_wait3A_231 = tpu.memref_slice %arg9[%dma_wait3A_229, %dma_wait3A_230] : memref<200x64xf32, #tpu.memory_space<vmem>> -> memref<128x64xf32, #tpu.memory_space<vmem>>
      %dma_wait3A_232 = arith.constant 0 : i32
      %dma_wait3A_233 = tpu.memref_slice %arg8[%add3A_199, %dma_wait3A_232] : memref<128x200xi32, #tpu.memory_space<vmem>> -> memref<1x128xi32, #tpu.memory_space<vmem>>
      %dma_wait3A_234 = tpu.memref_squeeze %dma_wait3A_233 : memref<1x128xi32, #tpu.memory_space<vmem>> -> memref<128xi32, #tpu.memory_space<vmem>>
      %dma_wait3A_235 = arith.constant 0 : i32
      %dma_wait3A_236 = arith.constant 0 : i32
      %dma_wait3A_237 = tpu.memref_slice %arg2[%dma_wait3A_235, %dma_wait3A_236] : memref<1000000x64xf32, #tpu.memory_space<hbm>> -> memref<1000000x64xf32, #tpu.memory_space<hbm>>
      tpu.wait_indirect_dma semaphore(%arg13 : memref<!tpu.dma_semaphore, #tpu.memory_space<semaphore_mem>>) src(%dma_wait3A_237 : memref<1000000x64xf32, #tpu.memory_space<hbm>>) dst(%dma_wait3A_231 : memref<128x64xf32, #tpu.memory_space<vmem>>)
      %dma_wait3A_238 = arith.constant 128 : i32
      %dma_wait3A_239 = arith.constant 0 : i32
      %dma_wait3A_240 = tpu.memref_slice %arg9[%dma_wait3A_238, %dma_wait3A_239] : memref<200x64xf32, #tpu.memory_space<vmem>> -> memref<72x64xf32, #tpu.memory_space<vmem>>
      %dma_wait3A_241 = arith.constant 128 : i32
      %dma_wait3A_242 = tpu.memref_slice %arg8[%add3A_199, %dma_wait3A_241] : memref<128x200xi32, #tpu.memory_space<vmem>> -> memref<1x72xi32, #tpu.memory_space<vmem>>
      %dma_wait3A_243 = tpu.memref_squeeze %dma_wait3A_242 : memref<1x72xi32, #tpu.memory_space<vmem>> -> memref<72xi32, #tpu.memory_space<vmem>>
      %dma_wait3A_244 = arith.constant 0 : i32
      %dma_wait3A_245 = arith.constant 0 : i32
      %dma_wait3A_246 = tpu.memref_slice %arg2[%dma_wait3A_244, %dma_wait3A_245] : memref<1000000x64xf32, #tpu.memory_space<hbm>> -> memref<1000000x64xf32, #tpu.memory_space<hbm>>
      tpu.wait_indirect_dma semaphore(%arg13 : memref<!tpu.dma_semaphore, #tpu.memory_space<semaphore_mem>>) src(%dma_wait3A_246 : memref<1000000x64xf32, #tpu.memory_space<hbm>>) dst(%dma_wait3A_240 : memref<72x64xf32, #tpu.memory_space<vmem>>)
      %scan3A_247 = arith.constant 0 : i32
      %scan3A_248 = arith.constant 0 : i32
      %scan3A_249 = arith.constant 100 : i32
      %scan3A_250 = arith.addi %scan3A_248, %scan3A_249 : i32
      %scan3A_251 = arith.constant 1 : i32
      scf.for %scan3A_260 = %scan3A_248 to %scan3A_250 step %scan3A_251  : i32 {
        %mul3A_261 = arith.constant 2 : i32
        %mul3A_262 = arith.muli %mul3A_261, %scan3A_260 : i32
        %add3A_263 = arith.constant 0 : i32
        %add3A_264 = arith.addi %mul3A_262, %add3A_263 : i32
        %get3A = arith.index_cast %add3A_264 : i32 to index
        %get3A_265 = arith.constant 0 : index
        %get3A_266 = tpu.vector_load %arg9[%get3A, %get3A_265] {strides = array<i32>} : memref<200x64xf32, #tpu.memory_space<vmem>>, vector<16xf32>,
        %mul3A_267 = arith.constant 8.000000e+00 : f32
        %mul3A_268 = vector.broadcast %mul3A_267 : f32 to vector<16xf32>
        %mul3A_269 = arith.mulf %get3A_266, %mul3A_268 : vector<16xf32>
        %get3A_270 = arith.index_cast %add3A_264 : i32 to index
        %get3A_271 = arith.constant 0 : index
        %get3A_272 = tpu.vector_load %arg6[%get3A_270, %get3A_271] {strides = array<i32>} : memref<200x64xf32, #tpu.memory_space<vmem>>, vector<16xf32>,
        %add3A_273 = arith.addf %mul3A_269, %get3A_272 : vector<16xf32>
        %swap3A = arith.index_cast %scan3A_260 : i32 to index
        %swap3A_274 = arith.constant 0 : index
        %swap3A_275 = tpu.vector_load %arg11[%swap3A, %swap3A_274] {strides = array<i32>} : memref<100x128xf32, #tpu.memory_space<vmem>>, vector<16xf32>,
        tpu.vector_store %arg11[%swap3A, %swap3A_274], %add3A_273 {strides = array<i32>} : memref<100x128xf32, #tpu.memory_space<vmem>>, vector<16xf32>,
        %get3A_276 = arith.index_cast %add3A_264 : i32 to index
        %get3A_277 = arith.constant 16 : index
        %get3A_278 = tpu.vector_load %arg9[%get3A_276, %get3A_277] {strides = array<i32>} : memref<200x64xf32, #tpu.memory_space<vmem>>, vector<16xf32>,
        %mul3A_279 = arith.constant 8.000000e+00 : f32
        %mul3A_280 = vector.broadcast %mul3A_279 : f32 to vector<16xf32>
        %mul3A_281 = arith.mulf %get3A_278, %mul3A_280 : vector<16xf32>
        %get3A_282 = arith.index_cast %add3A_264 : i32 to index
        %get3A_283 = arith.constant 16 : index
        %get3A_284 = tpu.vector_load %arg6[%get3A_282, %get3A_283] {strides = array<i32>} : memref<200x64xf32, #tpu.memory_space<vmem>>, vector<16xf32>,
        %add3A_285 = arith.addf %mul3A_281, %get3A_284 : vector<16xf32>
        %swap3A_286 = arith.index_cast %scan3A_260 : i32 to index
        %swap3A_287 = arith.constant 16 : index
        %swap3A_288 = tpu.vector_load %arg11[%swap3A_286, %swap3A_287] {strides = array<i32>} : memref<100x128xf32, #tpu.memory_space<vmem>>, vector<16xf32>,
        tpu.vector_store %arg11[%swap3A_286, %swap3A_287], %add3A_285 {strides = array<i32>} : memref<100x128xf32, #tpu.memory_space<vmem>>, vector<16xf32>,
        %get3A_289 = arith.index_cast %add3A_264 : i32 to index
        %get3A_290 = arith.constant 32 : index
        %get3A_291 = tpu.vector_load %arg9[%get3A_289, %get3A_290] {strides = array<i32>} : memref<200x64xf32, #tpu.memory_space<vmem>>, vector<16xf32>,
        %mul3A_292 = arith.constant 8.000000e+00 : f32
        %mul3A_293 = vector.broadcast %mul3A_292 : f32 to vector<16xf32>
        %mul3A_294 = arith.mulf %get3A_291, %mul3A_293 : vector<16xf32>
        %get3A_295 = arith.index_cast %add3A_264 : i32 to index
        %get3A_296 = arith.constant 32 : index
        %get3A_297 = tpu.vector_load %arg6[%get3A_295, %get3A_296] {strides = array<i32>} : memref<200x64xf32, #tpu.memory_space<vmem>>, vector<16xf32>,
        %add3A_298 = arith.addf %mul3A_294, %get3A_297 : vector<16xf32>
        %swap3A_299 = arith.index_cast %scan3A_260 : i32 to index
        %swap3A_300 = arith.constant 32 : index
        %swap3A_301 = tpu.vector_load %arg11[%swap3A_299, %swap3A_300] {strides = array<i32>} : memref<100x128xf32, #tpu.memory_space<vmem>>, vector<16xf32>,
        tpu.vector_store %arg11[%swap3A_299, %swap3A_300], %add3A_298 {strides = array<i32>} : memref<100x128xf32, #tpu.memory_space<vmem>>, vector<16xf32>,
        %get3A_302 = arith.index_cast %add3A_264 : i32 to index
        %get3A_303 = arith.constant 48 : index
        %get3A_304 = tpu.vector_load %arg9[%get3A_302, %get3A_303] {strides = array<i32>} : memref<200x64xf32, #tpu.memory_space<vmem>>, vector<16xf32>,
        %mul3A_305 = arith.constant 8.000000e+00 : f32
        %mul3A_306 = vector.broadcast %mul3A_305 : f32 to vector<16xf32>
        %mul3A_307 = arith.mulf %get3A_304, %mul3A_306 : vector<16xf32>
        %get3A_308 = arith.index_cast %add3A_264 : i32 to index
        %get3A_309 = arith.constant 48 : index
        %get3A_310 = tpu.vector_load %arg6[%get3A_308, %get3A_309] {strides = array<i32>} : memref<200x64xf32, #tpu.memory_space<vmem>>, vector<16xf32>,
        %add3A_311 = arith.addf %mul3A_307, %get3A_310 : vector<16xf32>
        %swap3A_312 = arith.index_cast %scan3A_260 : i32 to index
        %swap3A_313 = arith.constant 48 : index
        %swap3A_314 = tpu.vector_load %arg11[%swap3A_312, %swap3A_313] {strides = array<i32>} : memref<100x128xf32, #tpu.memory_space<vmem>>, vector<16xf32>,
        tpu.vector_store %arg11[%swap3A_312, %swap3A_313], %add3A_311 {strides = array<i32>} : memref<100x128xf32, #tpu.memory_space<vmem>>, vector<16xf32>,
        %mul3A_315 = arith.constant 2 : i32
        %mul3A_316 = arith.muli %mul3A_315, %scan3A_260 : i32
        %add3A_317 = arith.constant 1 : i32
        %add3A_318 = arith.addi %mul3A_316, %add3A_317 : i32
        %get3A_319 = arith.index_cast %add3A_318 : i32 to index
        %get3A_320 = arith.constant 0 : index
        %get3A_321 = tpu.vector_load %arg9[%get3A_319, %get3A_320] {strides = array<i32>} : memref<200x64xf32, #tpu.memory_space<vmem>>, vector<16xf32>,
        %mul3A_322 = arith.constant 8.000000e+00 : f32
        %mul3A_323 = vector.broadcast %mul3A_322 : f32 to vector<16xf32>
        %mul3A_324 = arith.mulf %get3A_321, %mul3A_323 : vector<16xf32>
        %get3A_325 = arith.index_cast %add3A_318 : i32 to index
        %get3A_326 = arith.constant 0 : index
        %get3A_327 = tpu.vector_load %arg6[%get3A_325, %get3A_326] {strides = array<i32>} : memref<200x64xf32, #tpu.memory_space<vmem>>, vector<16xf32>,
        %add3A_328 = arith.addf %mul3A_324, %get3A_327 : vector<16xf32>
        %swap3A_329 = arith.index_cast %scan3A_260 : i32 to index
        %swap3A_330 = arith.constant 64 : index
        %swap3A_331 = tpu.vector_load %arg11[%swap3A_329, %swap3A_330] {strides = array<i32>} : memref<100x128xf32, #tpu.memory_space<vmem>>, vector<16xf32>,
        tpu.vector_store %arg11[%swap3A_329, %swap3A_330], %add3A_328 {strides = array<i32>} : memref<100x128xf32, #tpu.memory_space<vmem>>, vector<16xf32>,
        %get3A_332 = arith.index_cast %add3A_318 : i32 to index
        %get3A_333 = arith.constant 16 : index
        %get3A_334 = tpu.vector_load %arg9[%get3A_332, %get3A_333] {strides = array<i32>} : memref<200x64xf32, #tpu.memory_space<vmem>>, vector<16xf32>,
        %mul3A_335 = arith.constant 8.000000e+00 : f32
        %mul3A_336 = vector.broadcast %mul3A_335 : f32 to vector<16xf32>
        %mul3A_337 = arith.mulf %get3A_334, %mul3A_336 : vector<16xf32>
        %get3A_338 = arith.index_cast %add3A_318 : i32 to index
        %get3A_339 = arith.constant 16 : index
        %get3A_340 = tpu.vector_load %arg6[%get3A_338, %get3A_339] {strides = array<i32>} : memref<200x64xf32, #tpu.memory_space<vmem>>, vector<16xf32>,
        %add3A_341 = arith.addf %mul3A_337, %get3A_340 : vector<16xf32>
        %swap3A_342 = arith.index_cast %scan3A_260 : i32 to index
        %swap3A_343 = arith.constant 80 : index
        %swap3A_344 = tpu.vector_load %arg11[%swap3A_342, %swap3A_343] {strides = array<i32>} : memref<100x128xf32, #tpu.memory_space<vmem>>, vector<16xf32>,
        tpu.vector_store %arg11[%swap3A_342, %swap3A_343], %add3A_341 {strides = array<i32>} : memref<100x128xf32, #tpu.memory_space<vmem>>, vector<16xf32>,
        %get3A_345 = arith.index_cast %add3A_318 : i32 to index
        %get3A_346 = arith.constant 32 : index
        %get3A_347 = tpu.vector_load %arg9[%get3A_345, %get3A_346] {strides = array<i32>} : memref<200x64xf32, #tpu.memory_space<vmem>>, vector<16xf32>,
        %mul3A_348 = arith.constant 8.000000e+00 : f32
        %mul3A_349 = vector.broadcast %mul3A_348 : f32 to vector<16xf32>
        %mul3A_350 = arith.mulf %get3A_347, %mul3A_349 : vector<16xf32>
        %get3A_351 = arith.index_cast %add3A_318 : i32 to index
        %get3A_352 = arith.constant 32 : index
        %get3A_353 = tpu.vector_load %arg6[%get3A_351, %get3A_352] {strides = array<i32>} : memref<200x64xf32, #tpu.memory_space<vmem>>, vector<16xf32>,
        %add3A_354 = arith.addf %mul3A_350, %get3A_353 : vector<16xf32>
        %swap3A_355 = arith.index_cast %scan3A_260 : i32 to index
        %swap3A_356 = arith.constant 96 : index
        %swap3A_357 = tpu.vector_load %arg11[%swap3A_355, %swap3A_356] {strides = array<i32>} : memref<100x128xf32, #tpu.memory_space<vmem>>, vector<16xf32>,
        tpu.vector_store %arg11[%swap3A_355, %swap3A_356], %add3A_354 {strides = array<i32>} : memref<100x128xf32, #tpu.memory_space<vmem>>, vector<16xf32>,
        %get3A_358 = arith.index_cast %add3A_318 : i32 to index
        %get3A_359 = arith.constant 48 : index
        %get3A_360 = tpu.vector_load %arg9[%get3A_358, %get3A_359] {strides = array<i32>} : memref<200x64xf32, #tpu.memory_space<vmem>>, vector<16xf32>,
        %mul3A_361 = arith.constant 8.000000e+00 : f32
        %mul3A_362 = vector.broadcast %mul3A_361 : f32 to vector<16xf32>
        %mul3A_363 = arith.mulf %get3A_360, %mul3A_362 : vector<16xf32>
        %get3A_364 = arith.index_cast %add3A_318 : i32 to index
        %get3A_365 = arith.constant 48 : index
        %get3A_366 = tpu.vector_load %arg6[%get3A_364, %get3A_365] {strides = array<i32>} : memref<200x64xf32, #tpu.memory_space<vmem>>, vector<16xf32>,
        %add3A_367 = arith.addf %mul3A_363, %get3A_366 : vector<16xf32>
        %swap3A_368 = arith.index_cast %scan3A_260 : i32 to index
        %swap3A_369 = arith.constant 112 : index
        %swap3A_370 = tpu.vector_load %arg11[%swap3A_368, %swap3A_369] {strides = array<i32>} : memref<100x128xf32, #tpu.memory_space<vmem>>, vector<16xf32>,
        tpu.vector_store %arg11[%swap3A_368, %swap3A_369], %add3A_367 {strides = array<i32>} : memref<100x128xf32, #tpu.memory_space<vmem>>, vector<16xf32>,
      }
      %scan3A_252 = arith.constant 100 : i32
      %mul3A_253 = arith.constant 100 : i32
      %mul3A_254 = arith.muli %add3A_199, %mul3A_253 : i32
      %add3A_255 = arith.addi %mul3A_6, %mul3A_254 : i32
      %dma_start3A_256 = arith.constant 0 : i32
      %dma_start3A_257 = tpu.memref_slice %arg5[%add3A_255, %dma_start3A_256] : memref<409600x128xf32, #tpu.memory_space<hbm>> -> memref<100x128xf32, #tpu.memory_space<hbm>>
      %dma_start3A_258 = arith.constant 0 : i32
      %dma_start3A_259 = tpu.memref_slice %arg5[%add3A_255, %dma_start3A_258] : memref<409600x128xf32, #tpu.memory_space<hbm>> -> memref<100x128xf32, #tpu.memory_space<hbm>>
      tpu.enqueue_dma source(%arg11 : memref<100x128xf32, #tpu.memory_space<vmem>>) target(%dma_start3A_259 : memref<100x128xf32, #tpu.memory_space<hbm>>) target_semaphore(%arg15 : memref<!tpu.dma_semaphore, #tpu.memory_space<semaphore_mem>>)
    }
    %scan3A_87 = arith.constant 63 : i32
    %add3A_88 = arith.constant 12600 : i32
    %add3A_89 = arith.addi %mul3A_6, %add3A_88 : i32
    %dma_wait3A_90 = arith.constant 0 : i32
    %dma_wait3A_91 = tpu.memref_slice %arg5[%add3A_89, %dma_wait3A_90] : memref<409600x128xf32, #tpu.memory_space<hbm>> -> memref<100x128xf32, #tpu.memory_space<hbm>>
    %dma_wait3A_92 = arith.constant 0 : i32
    %dma_wait3A_93 = tpu.memref_slice %arg5[%add3A_89, %dma_wait3A_92] : memref<409600x128xf32, #tpu.memory_space<hbm>> -> memref<100x128xf32, #tpu.memory_space<hbm>>
    tpu.wait_dma2 semaphore(%arg15 : memref<!tpu.dma_semaphore, #tpu.memory_space<semaphore_mem>>) src(%arg11 : memref<100x128xf32, #tpu.memory_space<vmem>>) dst(%dma_wait3A_93 : memref<100x128xf32, #tpu.memory_space<hbm>>)
    %dma_wait3A_94 = arith.constant 127 : i32
    %dma_wait3A_95 = arith.constant 0 : i32
    %dma_wait3A_96 = arith.constant 0 : i32
    %dma_wait3A_97 = tpu.memref_slice %arg10[%dma_wait3A_95, %dma_wait3A_96] : memref<200x64xf32, #tpu.memory_space<vmem>> -> memref<128x64xf32, #tpu.memory_space<vmem>>
    %dma_wait3A_98 = arith.constant 0 : i32
    %dma_wait3A_99 = tpu.memref_slice %arg8[%dma_wait3A_94, %dma_wait3A_98] : memref<128x200xi32, #tpu.memory_space<vmem>> -> memref<1x128xi32, #tpu.memory_space<vmem>>
    %dma_wait3A_100 = tpu.memref_squeeze %dma_wait3A_99 : memref<1x128xi32, #tpu.memory_space<vmem>> -> memref<128xi32, #tpu.memory_space<vmem>>
    %dma_wait3A_101 = arith.constant 0 : i32
    %dma_wait3A_102 = arith.constant 0 : i32
    %dma_wait3A_103 = tpu.memref_slice %arg2[%dma_wait3A_101, %dma_wait3A_102] : memref<1000000x64xf32, #tpu.memory_space<hbm>> -> memref<1000000x64xf32, #tpu.memory_space<hbm>>
    tpu.wait_indirect_dma semaphore(%arg14 : memref<!tpu.dma_semaphore, #tpu.memory_space<semaphore_mem>>) src(%dma_wait3A_103 : memref<1000000x64xf32, #tpu.memory_space<hbm>>) dst(%dma_wait3A_97 : memref<128x64xf32, #tpu.memory_space<vmem>>)
    %dma_wait3A_104 = arith.constant 127 : i32
    %dma_wait3A_105 = arith.constant 128 : i32
    %dma_wait3A_106 = arith.constant 0 : i32
    %dma_wait3A_107 = tpu.memref_slice %arg10[%dma_wait3A_105, %dma_wait3A_106] : memref<200x64xf32, #tpu.memory_space<vmem>> -> memref<72x64xf32, #tpu.memory_space<vmem>>
    %dma_wait3A_108 = arith.constant 128 : i32
    %dma_wait3A_109 = tpu.memref_slice %arg8[%dma_wait3A_104, %dma_wait3A_108] : memref<128x200xi32, #tpu.memory_space<vmem>> -> memref<1x72xi32, #tpu.memory_space<vmem>>
    %dma_wait3A_110 = tpu.memref_squeeze %dma_wait3A_109 : memref<1x72xi32, #tpu.memory_space<vmem>> -> memref<72xi32, #tpu.memory_space<vmem>>
    %dma_wait3A_111 = arith.constant 0 : i32
    %dma_wait3A_112 = arith.constant 0 : i32
    %dma_wait3A_113 = tpu.memref_slice %arg2[%dma_wait3A_111, %dma_wait3A_112] : memref<1000000x64xf32, #tpu.memory_space<hbm>> -> memref<1000000x64xf32, #tpu.memory_space<hbm>>
    tpu.wait_indirect_dma semaphore(%arg14 : memref<!tpu.dma_semaphore, #tpu.memory_space<semaphore_mem>>) src(%dma_wait3A_113 : memref<1000000x64xf32, #tpu.memory_space<hbm>>) dst(%dma_wait3A_107 : memref<72x64xf32, #tpu.memory_space<vmem>>)
    %scan3A_114 = arith.constant 0 : i32
    %scan3A_115 = arith.constant 0 : i32
    %scan3A_116 = arith.constant 100 : i32
    %scan3A_117 = arith.addi %scan3A_115, %scan3A_116 : i32
    %scan3A_118 = arith.constant 1 : i32
    scf.for %scan3A_132 = %scan3A_115 to %scan3A_117 step %scan3A_118  : i32 {
      %mul3A_133 = arith.constant 2 : i32
      %mul3A_134 = arith.muli %mul3A_133, %scan3A_132 : i32
      %add3A_135 = arith.constant 0 : i32
      %add3A_136 = arith.addi %mul3A_134, %add3A_135 : i32
      %get3A = arith.index_cast %add3A_136 : i32 to index
      %get3A_137 = arith.constant 0 : index
      %get3A_138 = tpu.vector_load %arg10[%get3A, %get3A_137] {strides = array<i32>} : memref<200x64xf32, #tpu.memory_space<vmem>>, vector<16xf32>,
      %mul3A_139 = arith.constant 8.000000e+00 : f32
      %mul3A_140 = vector.broadcast %mul3A_139 : f32 to vector<16xf32>
      %mul3A_141 = arith.mulf %get3A_138, %mul3A_140 : vector<16xf32>
      %get3A_142 = arith.index_cast %add3A_136 : i32 to index
      %get3A_143 = arith.constant 0 : index
      %get3A_144 = tpu.vector_load %arg6[%get3A_142, %get3A_143] {strides = array<i32>} : memref<200x64xf32, #tpu.memory_space<vmem>>, vector<16xf32>,
      %add3A_145 = arith.addf %mul3A_141, %get3A_144 : vector<16xf32>
      %swap3A = arith.index_cast %scan3A_132 : i32 to index
      %swap3A_146 = arith.constant 0 : index
      %swap3A_147 = tpu.vector_load %arg12[%swap3A, %swap3A_146] {strides = array<i32>} : memref<100x128xf32, #tpu.memory_space<vmem>>, vector<16xf32>,
      tpu.vector_store %arg12[%swap3A, %swap3A_146], %add3A_145 {strides = array<i32>} : memref<100x128xf32, #tpu.memory_space<vmem>>, vector<16xf32>,
      %get3A_148 = arith.index_cast %add3A_136 : i32 to index
      %get3A_149 = arith.constant 16 : index
      %get3A_150 = tpu.vector_load %arg10[%get3A_148, %get3A_149] {strides = array<i32>} : memref<200x64xf32, #tpu.memory_space<vmem>>, vector<16xf32>,
      %mul3A_151 = arith.constant 8.000000e+00 : f32
      %mul3A_152 = vector.broadcast %mul3A_151 : f32 to vector<16xf32>
      %mul3A_153 = arith.mulf %get3A_150, %mul3A_152 : vector<16xf32>
      %get3A_154 = arith.index_cast %add3A_136 : i32 to index
      %get3A_155 = arith.constant 16 : index
      %get3A_156 = tpu.vector_load %arg6[%get3A_154, %get3A_155] {strides = array<i32>} : memref<200x64xf32, #tpu.memory_space<vmem>>, vector<16xf32>,
      %add3A_157 = arith.addf %mul3A_153, %get3A_156 : vector<16xf32>
      %swap3A_158 = arith.index_cast %scan3A_132 : i32 to index
      %swap3A_159 = arith.constant 16 : index
      %swap3A_160 = tpu.vector_load %arg12[%swap3A_158, %swap3A_159] {strides = array<i32>} : memref<100x128xf32, #tpu.memory_space<vmem>>, vector<16xf32>,
      tpu.vector_store %arg12[%swap3A_158, %swap3A_159], %add3A_157 {strides = array<i32>} : memref<100x128xf32, #tpu.memory_space<vmem>>, vector<16xf32>,
      %get3A_161 = arith.index_cast %add3A_136 : i32 to index
      %get3A_162 = arith.constant 32 : index
      %get3A_163 = tpu.vector_load %arg10[%get3A_161, %get3A_162] {strides = array<i32>} : memref<200x64xf32, #tpu.memory_space<vmem>>, vector<16xf32>,
      %mul3A_164 = arith.constant 8.000000e+00 : f32
      %mul3A_165 = vector.broadcast %mul3A_164 : f32 to vector<16xf32>
      %mul3A_166 = arith.mulf %get3A_163, %mul3A_165 : vector<16xf32>
      %get3A_167 = arith.index_cast %add3A_136 : i32 to index
      %get3A_168 = arith.constant 32 : index
      %get3A_169 = tpu.vector_load %arg6[%get3A_167, %get3A_168] {strides = array<i32>} : memref<200x64xf32, #tpu.memory_space<vmem>>, vector<16xf32>,
      %add3A_170 = arith.addf %mul3A_166, %get3A_169 : vector<16xf32>
      %swap3A_171 = arith.index_cast %scan3A_132 : i32 to index
      %swap3A_172 = arith.constant 32 : index
      %swap3A_173 = tpu.vector_load %arg12[%swap3A_171, %swap3A_172] {strides = array<i32>} : memref<100x128xf32, #tpu.memory_space<vmem>>, vector<16xf32>,
      tpu.vector_store %arg12[%swap3A_171, %swap3A_172], %add3A_170 {strides = array<i32>} : memref<100x128xf32, #tpu.memory_space<vmem>>, vector<16xf32>,
      %get3A_174 = arith.index_cast %add3A_136 : i32 to index
      %get3A_175 = arith.constant 48 : index
      %get3A_176 = tpu.vector_load %arg10[%get3A_174, %get3A_175] {strides = array<i32>} : memref<200x64xf32, #tpu.memory_space<vmem>>, vector<16xf32>,
      %mul3A_177 = arith.constant 8.000000e+00 : f32
      %mul3A_178 = vector.broadcast %mul3A_177 : f32 to vector<16xf32>
      %mul3A_179 = arith.mulf %get3A_176, %mul3A_178 : vector<16xf32>
      %get3A_180 = arith.index_cast %add3A_136 : i32 to index
      %get3A_181 = arith.constant 48 : index
      %get3A_182 = tpu.vector_load %arg6[%get3A_180, %get3A_181] {strides = array<i32>} : memref<200x64xf32, #tpu.memory_space<vmem>>, vector<16xf32>,
      %add3A_183 = arith.addf %mul3A_179, %get3A_182 : vector<16xf32>
      %swap3A_184 = arith.index_cast %scan3A_132 : i32 to index
      %swap3A_185 = arith.constant 48 : index
      %swap3A_186 = tpu.vector_load %arg12[%swap3A_184, %swap3A_185] {strides = array<i32>} : memref<100x128xf32, #tpu.memory_space<vmem>>, vector<16xf32>,
      tpu.vector_store %arg12[%swap3A_184, %swap3A_185], %add3A_183 {strides = array<i32>} : memref<100x128xf32, #tpu.memory_space<vmem>>, vector<16xf32>,
      %mul3A_187 = arith.constant 2 : i32
      %mul3A_188 = arith.muli %mul3A_187, %scan3A_132 : i32
      %add3A_189 = arith.constant 1 : i32
      %add3A_190 = arith.addi %mul3A_188, %add3A_189 : i32
      %get3A_191 = arith.index_cast %add3A_190 : i32 to index
      %get3A_192 = arith.constant 0 : index
      %get3A_193 = tpu.vector_load %arg10[%get3A_191, %get3A_192] {strides = array<i32>} : memref<200x64xf32, #tpu.memory_space<vmem>>, vector<16xf32>,
      %mul3A_194 = arith.constant 8.000000e+00 : f32
      %mul3A_195 = vector.broadcast %mul3A_194 : f32 to vector<16xf32>
      %mul3A_196 = arith.mulf %get3A_193, %mul3A_195 : vector<16xf32>
      %get3A_197 = arith.index_cast %add3A_190 : i32 to index
      %get3A_198 = arith.constant 0 : index
      %get3A_199 = tpu.vector_load %arg6[%get3A_197, %get3A_198] {strides = array<i32>} : memref<200x64xf32, #tpu.memory_space<vmem>>, vector<16xf32>,
      %add3A_200 = arith.addf %mul3A_196, %get3A_199 : vector<16xf32>
      %swap3A_201 = arith.index_cast %scan3A_132 : i32 to index
      %swap3A_202 = arith.constant 64 : index
      %swap3A_203 = tpu.vector_load %arg12[%swap3A_201, %swap3A_202] {strides = array<i32>} : memref<100x128xf32, #tpu.memory_space<vmem>>, vector<16xf32>,
      tpu.vector_store %arg12[%swap3A_201, %swap3A_202], %add3A_200 {strides = array<i32>} : memref<100x128xf32, #tpu.memory_space<vmem>>, vector<16xf32>,
      %get3A_204 = arith.index_cast %add3A_190 : i32 to index
      %get3A_205 = arith.constant 16 : index
      %get3A_206 = tpu.vector_load %arg10[%get3A_204, %get3A_205] {strides = array<i32>} : memref<200x64xf32, #tpu.memory_space<vmem>>, vector<16xf32>,
      %mul3A_207 = arith.constant 8.000000e+00 : f32
      %mul3A_208 = vector.broadcast %mul3A_207 : f32 to vector<16xf32>
      %mul3A_209 = arith.mulf %get3A_206, %mul3A_208 : vector<16xf32>
      %get3A_210 = arith.index_cast %add3A_190 : i32 to index
      %get3A_211 = arith.constant 16 : index
      %get3A_212 = tpu.vector_load %arg6[%get3A_210, %get3A_211] {strides = array<i32>} : memref<200x64xf32, #tpu.memory_space<vmem>>, vector<16xf32>,
      %add3A_213 = arith.addf %mul3A_209, %get3A_212 : vector<16xf32>
      %swap3A_214 = arith.index_cast %scan3A_132 : i32 to index
      %swap3A_215 = arith.constant 80 : index
      %swap3A_216 = tpu.vector_load %arg12[%swap3A_214, %swap3A_215] {strides = array<i32>} : memref<100x128xf32, #tpu.memory_space<vmem>>, vector<16xf32>,
      tpu.vector_store %arg12[%swap3A_214, %swap3A_215], %add3A_213 {strides = array<i32>} : memref<100x128xf32, #tpu.memory_space<vmem>>, vector<16xf32>,
      %get3A_217 = arith.index_cast %add3A_190 : i32 to index
      %get3A_218 = arith.constant 32 : index
      %get3A_219 = tpu.vector_load %arg10[%get3A_217, %get3A_218] {strides = array<i32>} : memref<200x64xf32, #tpu.memory_space<vmem>>, vector<16xf32>,
      %mul3A_220 = arith.constant 8.000000e+00 : f32
      %mul3A_221 = vector.broadcast %mul3A_220 : f32 to vector<16xf32>
      %mul3A_222 = arith.mulf %get3A_219, %mul3A_221 : vector<16xf32>
      %get3A_223 = arith.index_cast %add3A_190 : i32 to index
      %get3A_224 = arith.constant 32 : index
      %get3A_225 = tpu.vector_load %arg6[%get3A_223, %get3A_224] {strides = array<i32>} : memref<200x64xf32, #tpu.memory_space<vmem>>, vector<16xf32>,
      %add3A_226 = arith.addf %mul3A_222, %get3A_225 : vector<16xf32>
      %swap3A_227 = arith.index_cast %scan3A_132 : i32 to index
      %swap3A_228 = arith.constant 96 : index
      %swap3A_229 = tpu.vector_load %arg12[%swap3A_227, %swap3A_228] {strides = array<i32>} : memref<100x128xf32, #tpu.memory_space<vmem>>, vector<16xf32>,
      tpu.vector_store %arg12[%swap3A_227, %swap3A_228], %add3A_226 {strides = array<i32>} : memref<100x128xf32, #tpu.memory_space<vmem>>, vector<16xf32>,
      %get3A_230 = arith.index_cast %add3A_190 : i32 to index
      %get3A_231 = arith.constant 48 : index
      %get3A_232 = tpu.vector_load %arg10[%get3A_230, %get3A_231] {strides = array<i32>} : memref<200x64xf32, #tpu.memory_space<vmem>>, vector<16xf32>,
      %mul3A_233 = arith.constant 8.000000e+00 : f32
      %mul3A_234 = vector.broadcast %mul3A_233 : f32 to vector<16xf32>
      %mul3A_235 = arith.mulf %get3A_232, %mul3A_234 : vector<16xf32>
      %get3A_236 = arith.index_cast %add3A_190 : i32 to index
      %get3A_237 = arith.constant 48 : index
      %get3A_238 = tpu.vector_load %arg6[%get3A_236, %get3A_237] {strides = array<i32>} : memref<200x64xf32, #tpu.memory_space<vmem>>, vector<16xf32>,
      %add3A_239 = arith.addf %mul3A_235, %get3A_238 : vector<16xf32>
      %swap3A_240 = arith.index_cast %scan3A_132 : i32 to index
      %swap3A_241 = arith.constant 112 : index
      %swap3A_242 = tpu.vector_load %arg12[%swap3A_240, %swap3A_241] {strides = array<i32>} : memref<100x128xf32, #tpu.memory_space<vmem>>, vector<16xf32>,
      tpu.vector_store %arg12[%swap3A_240, %swap3A_241], %add3A_239 {strides = array<i32>} : memref<100x128xf32, #tpu.memory_space<vmem>>, vector<16xf32>,
    }
    %scan3A_119 = arith.constant 100 : i32
    %add3A_120 = arith.constant 12700 : i32
    %add3A_121 = arith.addi %mul3A_6, %add3A_120 : i32
    %dma_start3A_122 = arith.constant 0 : i32
    %dma_start3A_123 = tpu.memref_slice %arg5[%add3A_121, %dma_start3A_122] : memref<409600x128xf32, #tpu.memory_space<hbm>> -> memref<100x128xf32, #tpu.memory_space<hbm>>
    %dma_start3A_124 = arith.constant 0 : i32
    %dma_start3A_125 = tpu.memref_slice %arg5[%add3A_121, %dma_start3A_124] : memref<409600x128xf32, #tpu.memory_space<hbm>> -> memref<100x128xf32, #tpu.memory_space<hbm>>
    tpu.enqueue_dma source(%arg12 : memref<100x128xf32, #tpu.memory_space<vmem>>) target(%dma_start3A_125 : memref<100x128xf32, #tpu.memory_space<hbm>>) target_semaphore(%arg16 : memref<!tpu.dma_semaphore, #tpu.memory_space<semaphore_mem>>)
    %add3A_126 = arith.constant 12700 : i32
    %add3A_127 = arith.addi %mul3A_6, %add3A_126 : i32
    %dma_wait3A_128 = arith.constant 0 : i32
    %dma_wait3A_129 = tpu.memref_slice %arg5[%add3A_127, %dma_wait3A_128] : memref<409600x128xf32, #tpu.memory_space<hbm>> -> memref<100x128xf32, #tpu.memory_space<hbm>>
    %dma_wait3A_130 = arith.constant 0 : i32
    %dma_wait3A_131 = tpu.memref_slice %arg5[%add3A_127, %dma_wait3A_130] : memref<409600x128xf32, #tpu.memory_space<hbm>> -> memref<100x128xf32, #tpu.memory_space<hbm>>
    tpu.wait_dma2 semaphore(%arg16 : memref<!tpu.dma_semaphore, #tpu.memory_space<semaphore_mem>>) src(%arg12 : memref<100x128xf32, #tpu.memory_space<vmem>>) dst(%dma_wait3A_131 : memref<100x128xf32, #tpu.memory_space<hbm>>)
    return
  }
}

</mosaic_0001>

<sc_bundles>
// kernel: _emb_lookup.3.cloned.1.call-start
scs
__scs_entry_jumppad:
0x0: {  	(pc) =	sbr.rel $0x88, $3  }
0x1: {  	(tag) =	ssettag $0x0;
	lr =	simm.s32 $0x1  }
0x2: {  	[smem:$0x3F9E] =	sst lr;
	_ =	strace $0xD0000000  }
0x3: {  	_ = 	snop  }
0x4: {  	_ = 	snop  }
0x5: {  	_ = 	snop  }
0x6: {  	_ = 	snop  }
0x7: {  	_ = 	snop  }
__scs_overlays_trampoline_lowered:
0x8: {  	[smem:$0x3FAD] =	sst s0  }
0x9: {  	[smem:$0x3FAE] =	sst s1  }
0xa: {  	[smem:$0x3FAF] =	sst s2  }
0xb: {  	[smem:$0x3FB0] =	sst s3  }
0xc: {  	[smem:$0x3FB1] =	sst s4  }
0xd: {  	[smem:$0x3FB2] =	sst s5  }
0xe: {  	[smem:$0x3FB3] =	sst s6  }
0xf: {  	[smem:$0x3FB4] =	sst s7  }
0x10: {  	[smem:$0x3FB5] =	sst s8  }
0x11: {  	[smem:$0x3FB6] =	sst s9;
	s0 =	simm.s32 @!p0 $0x0  }
0x12: {  	s1 =	sld [smem:$0x3F9C];
	s0 =	simm.s32 @p0 $0x1  }
0x13: {  	[smem:$0x3FB7] =	sst s0;
	s0 =	simm.s32 @!p1 $0x0  }
0x14: {  	s2 =	sld [smem:$0x3F9B];
	s0 =	simm.s32 @p1 $0x1  }
0x15: {  	[smem:$0x3FB8] =	sst s0;
	s0 =	simm.s32 @!p2 $0x0  }
0x16: {  	s3 =	sld [smem:$0x3FDB];
	s0 =	simm.s32 @p2 $0x1  }
0x17: {  	s4 =	simm.s32 $0x1BF5;
	[smem:$0x3FBA] =	sst s0  }
0x18: {  	s0 =	sld [smem:$0x3F9D];
	_ =	swait.ge [sflag:s4], $0x0  }
0x19: {  	s7 =	sld [smem:$0x3F9E]  }
0x1a: {  	s8 =	sadd.s32 $0xFFFFE003, lr  }
0x1b: {  	s9 =	sadd.s32 $0xFFFFFEF7, lr;
	s5 =	simm.s32 $0xFFFFFFFF;
	p2 =	slt.u32 s8, $0xFFFFF086  }
0x1c: {  	p1 =	slt.u32 s9, $0xF7A;
	s5 =	simm.s32 @!p2 $0x0  }
0x1d: {  	s5 =	simm.s32 @p1 $0x1;
	p0 =	seq.s32 s7, s2  }
0x1e: {  	s7 =	smul.u32 @!p0 $0xF7A, s2;
	p2 =	seq.s32 @!p0 s5, $0x0  }
0x1f: {  	s9 =	smul.u32 $0xF7A, s1;
	s8 =	simm.s32 @!p0 $0x1BF5;
	p2 =	por !p2, p0  }
0x20: {  	[sflag:s8] =	ssyncset.s32 @!p0 $0xFFFFF086;
	s6 =	sadd.s32 @!p0 s3, s7;
	s7 =	simm.s32 @!p0 $0x108  }
0x21: {  	s3 =	sadd.s32 s3, s9;
	s6 =	sadd.s32 @!p0 $0x88, s6;
	s7 =	simm.s32 @p2 $0x1082  }
0x22: {  	[simem:s7], [sflag:s8] =	dma.local @!p0 [hbm:s6], $0xF7A  }
0x23: {  	s9 =	sor.u32 $0xD0000000, s2;
	s6 =	simm.s32 $0x108;
	_ =	swait.ge @!p0 [sflag:s8], $0x0  }
0x24: {  	s3 =	sadd.s32 $0x88, s3;
	s6 =	simm.s32 @!p1 $0x1082;
	[sflag:s4] =	ssyncset.s32 $0xFFFFF086  }
0x25: {  	[simem:s6], [sflag:s4] =	dma.local [hbm:s3], $0xF7A  }
0x26: {  	[smem:$0x3F9E] =	sst s1;
	(tag) =	ssettag s2;
	_ =	strace s9  }
0x27: {  	s1 =	sld [smem:$0x3FAE]  }
0x28: {  	s2 =	sld [smem:$0x3FAF]  }
0x29: {  	s4 =	sld [smem:$0x3FB1]  }
0x2a: {  	p0 =	seq.s32 s5, $0x0;
	s5 =	sld [smem:$0x3FB2]  }
0x2b: {  	s6 =	sld [smem:$0x3FB3]  }
0x2c: {  	s7 =	sld [smem:$0x3FB4]  }
0x2d: {  	s3 =	simm.s32 $0x108;
	s8 =	sld [smem:$0x3FB5]  }
0x2e: {  	s3 =	simm.s32 @!p0 $0x1082;
	s9 =	sld [smem:$0x3FB6]  }
0x2f: {  	lr =	sadd.s32 s0, s3;
	s0 =	sld [smem:$0x3FAD]  }
0x30: {  	s3 =	sld [smem:$0x3FB0]  }
0x31: {  	[smem:$0x3FB9] =	sst s10  }
0x32: {  	s10 =	sld [smem:$0x3FB7];
	_ =	sdelay $0x3  }
0x33: {  	p0 =	seq.s32 s10, $0x1;
	s10 =	sld [smem:$0x3FB9];
	_ =	sdelay $0x3  }
0x34: {  	[smem:$0x3FB9] =	sst s10  }
0x35: {  	s10 =	sld [smem:$0x3FB8];
	_ =	sdelay $0x3  }
0x36: {  	p1 =	seq.s32 s10, $0x1;
	s10 =	sld [smem:$0x3FB9];
	_ =	sdelay $0x3  }
0x37: {  	[smem:$0x3FB9] =	sst s10  }
0x38: {  	s10 =	sld [smem:$0x3FBA]  }
0x39: {  	_ = 	snop;
	(pc) =	sbr.ind lr, $3  }
0x3a: {  	_ = 	snop  }
0x3b: {  	_ = 	snop  }
0x3c: {  	p2 =	seq.s32 s10, $0x1;
	s10 =	sld [smem:$0x3FB9]  }
0x3d: {  	_ =	shalt  }
0x3e: {  	_ =	shalt  }
0x3f: {  	_ =	shalt  }
0x40: {  	_ =	shalt  }
0x41: {  	_ =	shalt  }
0x42: {  	_ =	shalt  }
0x43: {  	_ =	shalt  }
0x44: {  	_ =	shalt  }
0x45: {  	_ =	shalt  }
0x46: {  	_ =	shalt  }
0x47: {  	_ =	shalt  }
0x48: {  	_ =	shalt  }
0x49: {  	_ =	shalt  }
0x4a: {  	_ =	shalt  }
0x4b: {  	_ =	shalt  }
0x4c: {  	_ =	shalt  }
0x4d: {  	_ =	shalt  }
0x4e: {  	_ =	shalt  }
0x4f: {  	_ =	shalt  }
0x50: {  	_ =	shalt  }
0x51: {  	_ =	shalt  }
0x52: {  	_ =	shalt  }
0x53: {  	_ =	shalt  }
0x54: {  	_ =	shalt  }
0x55: {  	_ =	shalt  }
0x56: {  	_ =	shalt  }
0x57: {  	_ =	shalt  }
0x58: {  	_ =	shalt  }
0x59: {  	_ =	shalt  }
0x5a: {  	_ =	shalt  }
0x5b: {  	_ =	shalt  }
0x5c: {  	_ =	shalt  }
0x5d: {  	_ =	shalt  }
0x5e: {  	_ =	shalt  }
0x5f: {  	_ =	shalt  }
0x60: {  	_ =	shalt  }
0x61: {  	_ =	shalt  }
0x62: {  	_ =	shalt  }
0x63: {  	_ =	shalt  }
0x64: {  	_ =	shalt  }
0x65: {  	_ =	shalt  }
0x66: {  	_ =	shalt  }
0x67: {  	_ =	shalt  }
0x68: {  	_ =	shalt  }
0x69: {  	_ =	shalt  }
0x6a: {  	_ =	shalt  }
0x6b: {  	_ =	shalt  }
0x6c: {  	_ =	shalt  }
0x6d: {  	_ =	shalt  }
0x6e: {  	_ =	shalt  }
0x6f: {  	_ =	shalt  }
0x70: {  	_ =	shalt  }
0x71: {  	_ =	shalt  }
0x72: {  	_ =	shalt  }
0x73: {  	_ =	shalt  }
0x74: {  	_ =	shalt  }
0x75: {  	_ =	shalt  }
0x76: {  	_ =	shalt  }
0x77: {  	_ =	shalt  }
0x78: {  	_ =	shalt  }
0x79: {  	_ =	shalt  }
0x7a: {  	_ =	shalt  }
0x7b: {  	_ =	shalt  }
0x7c: {  	_ =	shalt  }
0x7d: {  	_ =	shalt  }
0x7e: {  	_ =	shalt  }
0x7f: {  	_ =	shalt  }
0x80: {  	_ =	shalt  }
0x81: {  	_ =	shalt  }
0x82: {  	_ =	shalt  }
0x83: {  	_ =	shalt  }
0x84: {  	_ =	shalt  }
0x85: {  	_ =	shalt  }
0x86: {  	_ =	shalt  }
0x87: {  	_ =	shalt  }
.Lfunc_end0:
.L_simem_size_0:
called_computation_lowered:
.L_overlay_start_0:
0x88: {  	s2 =	sld [smem:$0x3FD9]  }
0x89: {  	s3 =	sld [smem:$0x3FFE];
	_ =	sdelay $0x1  }
0x8a: {  	s1 =	srdreg.scid  }
0x8b: {  	s0 =	sand.u32 $0x1, s1  }
0x8c: {  	s17 =	sshll.u32 s0, $0xA;
	s2 =	sadd.s32 s3, s2  }
0x8d: {  	s2 =	sadd.s32 s2, s17  }
0x8e: {  	[smem:$0x3FC5] =	sst s2  }
0x8f: {  	_ = 	snop  }
0x90: {  	s2 =	sld [smem:$0x3FD0];
	(tm) =	ssettm $0x1  }
0x91: {  	s18 =	sld [smem:$0x3FFB];
	_ =	sdelay $0x3  }
0x92: {  	_ =	strace s18  }
0x93: {  	s3 =	sld [smem:$0x3FFC];
	_ =	sdelay $0x3  }
0x94: {  	_ =	strace s3  }
0x95: {  	s3 =	sld [smem:$0x3FFD];
	_ =	sdelay $0x3  }
0x96: {  	_ =	strace s3  }
0x97: {  	_ =	strace $0x8FFFFFFF  }
0x98: {  	s19 =	sld [smem:$0x3FDB];
	_ =	sdelay $0x1  }
0x99: {  	s4 =	simm.s32 $_scs_section_size  }
0x9a: {  	s5 =	simm.s32 $_size__tile_overlayer_lowered;
	s6 =	simm.s32 $_tile_overlayer_lowered  }
0x9b: {  	s22 =	simm.s32 $0x1BFF;
	s21 =	sshll.u32 s6, $0x1;
	s3 =	sadd.s32 s4, s19  }
0x9c: {  	s7 =	simm.s32 $0x0;
	s20 =	sshll.u32 s5, $0x1;
	s5 =	sadd.s32 s21, s3  }
0x9d: {  	[timem:s7], [sflag:s22] =	dma.local [hbm:s5], s20  }
0x9e: {  	_ =	swait.ge [sflag:s22], s20  }
0x9f: {  	s4 =	ssub.s32 $0x0, s20;
	[sflag:s22] =	ssyncset.done $0x0  }
0xa0: {  	[sflag:s22] =	ssyncadd.s32 s4;
	_ =	sdelay $0x1  }
0xa1: {  	s23 =	simm.s32 $0x1B8B  }
0xa2: {  	_ =	swait.ge [sflag:s23], $0x1  }
0xa3: {  	[sflag:s23] =	ssyncset.done $0x0  }
0xa4: {  	s25 =	simm.s32 $0x1B8E;
	s24 =	sld [smem:$0x3FFE];
	[sflag:s23] =	ssyncadd.s32 $0xFFFFFFFF  }
0xa5: {  	s26 =	simm.s32 $execute0_lowered;
	[smem:$0x3FD2] =	sst s25  }
0xa6: {  	s5 =	sshll.u32 s26, $0x1;
	_ =	strace $0x80000046;
	[dreg:$0x1] =	wrdreg $0xFFFFFFFF  }
0xa7: {  	s28 =	simm.s32 $_size_execute0_lowered;
	s3 =	sadd.s32 s3, s5;
	[dreg:$0x0] =	wrdreg $0x0  }
0xa8: {  	s5 =	sshll.u32 s28, $0x1;
	[dreg:$0x2] =	wrdreg s3  }
0xa9: {  	[dreg:$0x3] =	wrdreg s5  }
0xaa: {  	[dreg:$0x4] =	wrdreg $0xC0  }
0xab: {  	_ =	task [dreg:s7], $0x5FFFF  }
0xac: {  	[dreg:$0x1] =	wrdreg $0xFFFFFFFF  }
0xad: {  	[dreg:$0x0] =	wrdreg $0x60  }
0xae: {  	[dreg:$0x2] =	wrdreg s24  }
0xaf: {  	[dreg:$0x3] =	wrdreg s2  }
0xb0: {  	[dreg:$0x4] =	wrdreg $0x9  }
0xb1: {  	_ =	task.clear_ibuf [dreg:s7], $0x5FFFF;
	_ =	strace $0x90000046  }
0xb2: {  	s29 =	simm.s32 $0x9;
	_ =	strace $0x80000048  }
0xb3: {  	_ =	swait.ge [sflag:s29], $0x1  }
0xb4: {  	[sflag:s29] =	ssyncadd.s32 $0xFFFFFFFF  }
0xb5: {  	_ =	strace $0x90000048  }
0xb6: {  	_ =	sfence  }
0xb7: {  	s30 =	sld [smem:$0x0];
	_ =	sdelay $0x2  }
0xb8: {  	s31 =	sshll.u32 s1, $0xD;
	s1 =	sshrl.u32 s1, $0x2  }
0xb9: {  	s3 =	sand.u32 $0x4000, s31;
	s1 =	sadd.s32 s1, s30  }
0xba: {  	s0 =	sor.u32 s3, s0;
	s1 =	sshll.u32 s1, $0x11  }
0xbb: {  	s0 =	sor.u32 s1, s0  }
0xbc: {  	s0 =	sadd.s32 $0x8F2B, s0  }
0xbd: {  	[sflag:s0] =	ssyncadd.remote.s32 $0x1  }
0xbe: {  	_ =	sfence.sel $0xFFFF  }
0xbf: {  	[dreg:$0x0] =	wrdreg $0xFFFFFFFF;
	(pc) =	sbr.abs _section_cstart, $3  }
0xc0: {  	[dreg:$0x1] =	wrdreg $0xFFFFFFFF  }
0xc1: {  	_ =	task.clear_ibuf [dreg:s7], $0x2FFFF;
	_ =	strace $0x9FFFFFFF  }
0xc2: {  	(tm) =	ssettm $0x7FFFFFFF  }
0xc3: {  	_ =	shalt  }
tec
execute0_lowered:
.L_overlay_start_1:
0x0: {  	(tag) =	ssettag $0x1  }
0x1: {  	s0 =	rddreg [dreg:$0x0]  }
0x2: {  	s2 =	rddreg [dreg:$0x1]  }
0x3: {  	s1 =	srdreg.scid;
	s4 =	stileid.u32  }
0x4: {  	s3 =	simm.s32 $0x0;
	s12 =	simm.s32 $0x5;
	s14 =	simm.s32 $0x80  }
0x5: {  	s16 =	simm.s32 $0xFA00;
	s17 =	simm.s32 $0x48;
	s19 =	simm.s32 $0x11A00  }
0x6: {  	s20 =	simm.s32 $0x96C8;
	s21 =	simm.s32 $0x12C00;
	s22 =	simm.s32 $0x9748  }
0x7: {  	s23 =	simm.s32 $0x14C00;
	s1 =	sand.u32 $0x1, s1;
	s4 =	sshll.u32 s4, $0x1  }
0x8: {  	s24 =	simm.s32 $0x1;
	s28 =	simm.s32 $0x2;
	s7 =	sor.u32 s1, s4  }
0x9: {  	s29 =	simm.s32 $0x19000;
	s30 =	simm.s32 $0x4;
	s6 =	smul.u32 $0xC80, s7  }
0xa: {  	s31 =	simm.s32 $0x0;
	[smem:$0x7FF] =	sst s3;
	s5 =	smul.u32 $0x3200, s7  }
0xb: {  	_ =	strace $0x80000047;
	s1 =	ssub.s32 $0x2, s1;
	s9 =	smul.u32 $0x190000, s7  }
0xc: {  	s4 =	sadd.s32 $0xF42C00, s0;
	s25 =	sshrl.u32 s1, $0x1;
	s10 =	smul.u32 $0x32000, s7  }
0xd: {  	s8 =	sadd.s32 s6, s0;
	s6 =	sadd.s32 $0x19800, s0;
	s0 =	ssub.s32 s1, s25  }
0xe: {  	s26 =	sshrl.u32 s9, $0x3;
	s9 =	sor.u32 $0x64, s5;
	s25 =	simm.s32 $0x15E00  }
0xf: {  	s7 =	sadd.s32 $0x800, s8;
	s8 =	sadd.s32 s2, s10;
	s1 =	sadd.s32 s2, s26  }
0x10: {  	s11 =	smax.u32 s0, $0x1;
	s26 =	simm.s32 $0x3;
	s10 =	sadd.s32 $0x319C0, s1  }
.LBB2_1:
0x11: {  	[tilespmem:s3], [sflag:$0x5] =	stream.linear.gather [hbm4b:s6+s3], $0x3200, $0x38;
	[tilespmem:$0x1C200] =	vst v63  }
0x12: {  	_ =	swait.ge [sflag:s12], $0x3200  }
0x13: {  	[sflag:s12] =	ssyncset.done $0x0  }
0x14: {  	s0 =	simm.s32 $0x3200;
	[sflag:s12] =	ssyncadd.s32 $0xFFFFCE00  }
0x15: {  	[tilespmem:s0], [sflag:$0x5] =	stream.linear.gather [hbm4b:s7+s3], $0x6400, $0x38;
	[tilespmem:$0x1C200] =	vst v63  }
0x16: {  	_ =	swait.ge [sflag:s12], $0x6400  }
0x17: {  	[sflag:s12] =	ssyncset.done $0x0  }
0x18: {  	s0 =	simm.s32 $0x0;
	[sflag:s12] =	ssyncadd.s32 $0xFFFF9C00  }
0x19: {  	v0 =	vld [tilespmem:s0+$0x32B0]  }
0x1a: {  	v2 =	vld [tilespmem:s0+$0x3200]  }
0x1b: {  	v3 =	vld [tilespmem:s0+$0x3210]  }
0x1c: {  	v4 =	vld [tilespmem:s0+$0x3220]  }
0x1d: {  	v1 =	vld [tilespmem:s0+$0x32B8]  }
0x1e: {  	v5 =	vld [tilespmem:s0+$0x3230];
	[tilespmem:s0+$0x96B0] =	vst v0  }
0x1f: {  	v6 =	vld [tilespmem:s0+$0x3250];
	[tilespmem:s0+$0x9600] =	vst v2  }
0x20: {  	v0 =	vld [tilespmem:s0+$0x3240];
	[tilespmem:s0+$0x9610] =	vst v3  }
0x21: {  	v7 =	vld [tilespmem:s0+$0x3260];
	[tilespmem:s0+$0x9620] =	vst v4  }
0x22: {  	[tilespmem:s0+$0x96B8] =	vst v1;
	v1 =	vld [tilespmem:s0+$0x3270]  }
0x23: {  	[tilespmem:s0+$0x9630] =	vst v5;
	v2 =	vld [tilespmem:s0+$0x3280]  }
0x24: {  	v3 =	vld [tilespmem:s0+$0x3290];
	[tilespmem:s0+$0x9650] =	vst v6  }
0x25: {  	s1 =	simm.s32 $0xC8;
	v4 =	vld [tilespmem:s0+$0x32A0];
	[tilespmem:s0+$0x9640] =	vst v0  }
0x26: {  	s13 =	simm.s32 $0x640;
	v0 =	vld [tilespmem:s1+$0x32B0];
	[tilespmem:s0+$0x9660] =	vst v7  }
.LBB2_2:
0x27: {  	p0 =	sne.s32 s13, $0x18CE0;
	v5 =	vld [tilespmem:s1+$0x32B8];
	[tilespmem:s0+$0x9670] =	vst v1  }
0x28: {  	v1 =	vld [tilespmem:s1+$0x3200];
	[tilespmem:s0+$0x9680] =	vst v2  }
0x29: {  	v2 =	vld [tilespmem:s1+$0x3210];
	[tilespmem:s0+$0x9690] =	vst v3  }
0x2a: {  	v3 =	vld [tilespmem:s1+$0x3220];
	[tilespmem:s0+$0x96A0] =	vst v4;
	s0 =	smov.u32 s1  }
0x2b: {  	v4 =	vld [tilespmem:s0+$0x3230];
	[tilespmem:s0+$0x96B0] =	vst v0  }
0x2c: {  	v0 =	vld [tilespmem:s0+$0x3240];
	[tilespmem:s0+$0x96B8] =	vst v5  }
0x2d: {  	[tilespmem:s0+$0x9600] =	vst v1;
	v5 =	vld [tilespmem:s0+$0x3250]  }
0x2e: {  	[tilespmem:s0+$0x9610] =	vst v2;
	v6 =	vld [tilespmem:s0+$0x3260]  }
.Ltmp0:
0x2f: {  	[tilespmem:s0+$0x9620] =	vst v3;
	v1 =	vld [tilespmem:s0+$0x3270];
	(pc) =	sbr.rel @p0 .LBB2_2-.Ltmp0, $4  }
0x30: {  	[tilespmem:s0+$0x9630] =	vst v4;
	v2 =	vld [tilespmem:s0+$0x3280]  }
0x31: {  	[tilespmem:s0+$0x9640] =	vst v0;
	v3 =	vld [tilespmem:s0+$0x3290]  }
0x32: {  	s1 =	sshra.s32 s13, $0x2;
	[tilespmem:s0+$0x9650] =	vst v5;
	v4 =	vld [tilespmem:s0+$0x32A0]  }
0x33: {  	s13 =	sadd.s32 $0x320, s13;
	v0 =	vld [tilespmem:s1+$0x32B0];
	[tilespmem:s0+$0x9660] =	vst v6  }
0x34: {  	v5 =	vld [tilespmem:s1+$0x32B8];
	[tilespmem:s0+$0x9670] =	vst v1  }
0x35: {  	v1 =	vld [tilespmem:s1+$0x3200];
	[tilespmem:s0+$0x9680] =	vst v2  }
0x36: {  	v2 =	vld [tilespmem:s1+$0x3210];
	[tilespmem:s0+$0x9690] =	vst v3  }
0x37: {  	v3 =	vld [tilespmem:s1+$0x3220];
	[tilespmem:s0+$0x96A0] =	vst v4  }
0x38: {  	v4 =	vld [tilespmem:s1+$0x3230];
	[tilespmem:s1+$0x96B0] =	vst v0  }
0x39: {  	v0 =	vld [tilespmem:s1+$0x3240];
	[tilespmem:s1+$0x96B8] =	vst v5  }
0x3a: {  	[tilespmem:s1+$0x9600] =	vst v1;
	v1 =	vld [tilespmem:s1+$0x3250]  }
0x3b: {  	[tilespmem:s1+$0x9610] =	vst v2;
	v2 =	vld [tilespmem:s1+$0x3260]  }
0x3c: {  	[tilespmem:s1+$0x9620] =	vst v3;
	v3 =	vld [tilespmem:s1+$0x3270]  }
0x3d: {  	[tilespmem:s1+$0x9630] =	vst v4;
	v4 =	vld [tilespmem:s1+$0x3280]  }
0x3e: {  	[tilespmem:s1+$0x9640] =	vst v0;
	v0 =	vld [tilespmem:s1+$0x3290]  }
0x3f: {  	[tilespmem:s1+$0x9650] =	vst v1;
	v1 =	vld [tilespmem:s1+$0x32A0]  }
0x40: {  	[tilespmem:s1+$0x9660] =	vst v2  }
0x41: {  	[tilespmem:s1+$0x9670] =	vst v3  }
0x42: {  	[tilespmem:s1+$0x9680] =	vst v4  }
0x43: {  	[tilespmem:s1+$0x9690] =	vst v0  }
0x44: {  	s15 =	simm.s32 $0x9600;
	[tilespmem:s1+$0x96A0] =	vst v1  }
0x45: {  	[tilespmem:s16], [sflag:$0x1] =	stream.indirect.gather [hbm4b:s4+s14], $0x40, s15, s14, $0xb8;
	[tilespmem:$0x1C200] =	vst v63  }
0x46: {  	s18 =	simm.s32 $0x9680  }
0x47: {  	[tilespmem:s19], [sflag:$0x1] =	stream.indirect.gather [hbm4b:s4+s17], $0x40, s18, s17, $0xb8;
	[tilespmem:$0x1C200] =	vst v63  }
0x48: {  	_ = 	snop  }
0x49: {  	[tilespmem:s21], [sflag:$0x2] =	stream.indirect.gather [hbm4b:s4+s14], $0x40, s20, s14, $0xb8;
	[tilespmem:$0x1C200] =	vst v63  }
0x4a: {  	_ = 	snop  }
0x4b: {  	[tilespmem:s23], [sflag:$0x2] =	stream.indirect.gather [hbm4b:s4+s17], $0x40, s22, s17, $0xb8;
	[tilespmem:$0x1C200] =	vst v63  }
0x4c: {  	_ =	swait.ge [sflag:s24], $0x2000  }
0x4d: {  	[sflag:s24] =	ssyncset.done $0x0  }
0x4e: {  	[sflag:s24] =	ssyncadd.s32 $0xFFFFE000  }
0x4f: {  	_ =	swait.ge [sflag:s24], $0x1200  }
0x50: {  	[sflag:s24] =	ssyncset.done $0x0  }
0x51: {  	s0 =	simm.s32 $0x0;
	[sflag:s24] =	ssyncadd.s32 $0xFFFFEE00  }
0x52: {  	v0 =	vld [tilespmem:s0+$0xFA70]  }
0x53: {  	v1 =	vld [tilespmem:s0+$0xFA00]  }
0x54: {  	v2 =	vld [tilespmem:s0+$0x70]  }
0x55: {  	v3 =	vld [tilespmem:s0+$0xFA10]  }
0x56: {  	v4 =	vld [tilespmem:s0+$0xFA20]  }
0x57: {  	v7 =	vld [tilespmem:s0+$0xFA30]  }
0x58: {  	v9 =	vld [tilespmem:s0+$0xFA40]  }
0x59: {  	v11 =	vld [tilespmem:s0+$0xFA50]  }
0x5a: {  	v12 =	vld [tilespmem:s0+$0xFA60];
	v0 =	vmul.f32 $8.000000000e+00, v0  }
0x5b: {  	v10 =	vld [tilespmem:s0+$0x0]  }
0x5c: {  	v13 =	vld [tilespmem:s0+$0x10];
	v0 =	vadd.f32 v2, v0  }
0x5d: {  	v8 =	vld [tilespmem:s0+$0x20]  }
0x5e: {  	v6 =	vld [tilespmem:s0+$0x30];
	[tilespmem:s0+$0x15E70] =	vst v0;
	v0 =	vmul.f32 $8.000000000e+00, v1  }
0x5f: {  	v14 =	vmul.f32 $8.000000000e+00, v3;
	v5 =	vmul.f32 $8.000000000e+00, v4;
	v4 =	vld [tilespmem:s0+$0x40]  }
0x60: {  	v3 =	vmul.f32 $8.000000000e+00, v7;
	v7 =	vld [tilespmem:s0+$0x50];
	v2 =	vmul.f32 $8.000000000e+00, v9;
	v10 =	vadd.f32 v10, v0  }
0x61: {  	s13 =	simm.s32 $0x400;
	s1 =	simm.s32 $0x80;
	v9 =	vld [tilespmem:s0+$0x60];
	v1 =	vmul.f32 $8.000000000e+00, v11;
	v11 =	vadd.f32 v13, v14;
	v0 =	vmul.f32 $8.000000000e+00, v12  }
.LBB2_4:
0x62: {  	p0 =	sne.s32 s13, $0xC600;
	v12 =	vld [tilespmem:s1+$0xFA70];
	[tilespmem:s0+$0x15E00] =	vst v10;
	v5 =	vadd.f32 v8, v5  }
0x63: {  	v8 =	vld [tilespmem:s1+$0xFA00];
	[tilespmem:s0+$0x15E10] =	vst v11;
	v3 =	vadd.f32 v6, v3  }
0x64: {  	v6 =	vld [tilespmem:s1+$0x70];
	[tilespmem:s0+$0x15E20] =	vst v5;
	v2 =	vadd.f32 v4, v2  }
0x65: {  	v4 =	vld [tilespmem:s1+$0xFA10];
	[tilespmem:s0+$0x15E30] =	vst v3;
	v1 =	vadd.f32 v7, v1  }
0x66: {  	v3 =	vld [tilespmem:s1+$0xFA20];
	[tilespmem:s0+$0x15E40] =	vst v2;
	v0 =	vadd.f32 v9, v0  }
0x67: {  	v2 =	vld [tilespmem:s1+$0xFA30];
	v5 =	vmul.f32 $8.000000000e+00, v12;
	[tilespmem:s0+$0x15E50] =	vst v1  }
0x68: {  	v7 =	vmul.f32 $8.000000000e+00, v8;
	v1 =	vld [tilespmem:s1+$0xFA40];
	[tilespmem:s0+$0x15E60] =	vst v0;
	s0 =	smov.u32 s1  }
0x69: {  	v0 =	vld [tilespmem:s0+$0xFA50];
	v6 =	vadd.f32 v6, v5  }
0x6a: {  	v9 =	vmul.f32 $8.000000000e+00, v4;
	v10 =	vld [tilespmem:s0+$0xFA60]  }
0x6b: {  	v11 =	vld [tilespmem:s0+$0x0];
	v5 =	vmul.f32 $8.000000000e+00, v3;
	[tilespmem:s0+$0x15E70] =	vst v6  }
0x6c: {  	v12 =	vld [tilespmem:s0+$0x10];
	v3 =	vmul.f32 $8.000000000e+00, v2  }
.Ltmp1:
0x6d: {  	v8 =	vld [tilespmem:s0+$0x20];
	v2 =	vmul.f32 $8.000000000e+00, v1;
	(pc) =	sbr.rel @p0 .LBB2_4-.Ltmp1, $4  }
0x6e: {  	v6 =	vld [tilespmem:s0+$0x30];
	v1 =	vmul.f32 $8.000000000e+00, v0  }
0x6f: {  	v4 =	vld [tilespmem:s0+$0x40];
	v0 =	vmul.f32 $8.000000000e+00, v10  }
0x70: {  	v10 =	vadd.f32 v11, v7;
	v7 =	vld [tilespmem:s0+$0x50]  }
0x71: {  	s1 =	sshra.s32 s13, $0x2;
	s13 =	sadd.s32 $0x200, s13;
	v11 =	vadd.f32 v12, v9;
	v9 =	vld [tilespmem:s0+$0x60]  }
0x72: {  	v12 =	vld [tilespmem:s1+$0xFA70];
	[tilespmem:s0+$0x15E00] =	vst v10;
	v5 =	vadd.f32 v8, v5  }
0x73: {  	v10 =	vld [tilespmem:s1+$0xFA00];
	[tilespmem:s0+$0x15E10] =	vst v11;
	v3 =	vadd.f32 v6, v3  }
0x74: {  	v52 =	vld [tilespmem:s1+$0x70];
	[tilespmem:s0+$0x15E20] =	vst v5;
	v2 =	vadd.f32 v4, v2  }
0x75: {  	v5 =	vld [tilespmem:s1+$0xFA10];
	[tilespmem:s0+$0x15E30] =	vst v3;
	v1 =	vadd.f32 v7, v1  }
0x76: {  	v3 =	vld [tilespmem:s1+$0xFA20];
	[tilespmem:s0+$0x15E40] =	vst v2;
	v0 =	vadd.f32 v9, v0  }
0x77: {  	v2 =	vld [tilespmem:s1+$0xFA30];
	[tilespmem:s0+$0x15E50] =	vst v1  }
0x78: {  	v1 =	vld [tilespmem:s1+$0xFA40];
	[tilespmem:s0+$0x15E60] =	vst v0  }
0x79: {  	v0 =	vld [tilespmem:s1+$0xFA50]  }
0x7a: {  	v54 =	vld [tilespmem:s1+$0xFA60]  }
0x7b: {  	v55 =	vld [tilespmem:s1+$0x0]  }
0x7c: {  	v56 =	vld [tilespmem:s1+$0x10]  }
0x7d: {  	v53 =	vmul.f32 $8.000000000e+00, v12;
	v57 =	vld [tilespmem:s1+$0x20]  }
0x7e: {  	v58 =	vmul.f32 $8.000000000e+00, v10;
	v59 =	vld [tilespmem:s1+$0x30]  }
0x7f: {  	v4 =	vadd.f32 v52, v53;
	v11 =	vld [tilespmem:s1+$0x40];
	v5 =	vmul.f32 $8.000000000e+00, v5  }
0x80: {  	v60 =	vld [tilespmem:s1+$0x50];
	v3 =	vmul.f32 $8.000000000e+00, v3;
	v7 =	vadd.f32 v55, v58  }
0x81: {  	v61 =	vld [tilespmem:s1+$0x60];
	[tilespmem:s1+$0x15E70] =	vst v4;
	v2 =	vmul.f32 $8.000000000e+00, v2;
	v4 =	vadd.f32 v56, v5  }
0x82: {  	v1 =	vmul.f32 $8.000000000e+00, v1;
	v3 =	vadd.f32 v57, v3;
	[tilespmem:s1+$0x15E00] =	vst v7  }
0x83: {  	v0 =	vmul.f32 $8.000000000e+00, v0;
	v2 =	vadd.f32 v59, v2;
	[tilespmem:s1+$0x15E10] =	vst v4  }
0x84: {  	v62 =	vmul.f32 $8.000000000e+00, v54;
	v1 =	vadd.f32 v11, v1;
	[tilespmem:s1+$0x15E20] =	vst v3  }
0x85: {  	[tilespmem:s1+$0x15E30] =	vst v2;
	v0 =	vadd.f32 v60, v0  }
0x86: {  	v63 =	vadd.f32 v61, v62;
	[tilespmem:s1+$0x15E40] =	vst v1  }
0x87: {  	[tilespmem:s1+$0x15E50] =	vst v0  }
0x88: {  	s0 =	simm.s32 $0x0;
	[tilespmem:s1+$0x15E60] =	vst v63  }
0x89: {  	[hbm4b:s8+s0] =	stream.linear.scatter [tilespmem:s25], [sflag:$0x3], $0x3200, $0x38;
	[tilespmem:$0x1C200] =	vst v63  }
.LBB2_6:
0x8a: {  	s1 =	sshll.u32 s0, $0x1  }
0x8b: {  	s1 =	sadd.s32 $0x2, s1  }
0x8c: {  	s13 =	smul.u32 $0x320, s1  }
0x8d: {  	_ =	swait.ge [sflag:s26], $0x3200  }
0x8e: {  	[sflag:s26] =	ssyncset.done $0x0;
	s13 =	sshra.s32 s13, $0x2  }
0x8f: {  	[sflag:s26] =	ssyncadd.s32 $0xFFFFCE00;
	s15 =	sadd.s32 $0x9600, s13  }
0x90: {  	[tilespmem:s16], [sflag:$0x1] =	stream.indirect.gather [hbm4b:s4+s14], $0x40, s15, s14, $0xb8;
	[tilespmem:$0x1C200] =	vst v63  }
0x91: {  	s13 =	sadd.s32 $0x9680, s13  }
0x92: {  	[tilespmem:s19], [sflag:$0x1] =	stream.indirect.gather [hbm4b:s4+s17], $0x40, s13, s17, $0xb8;
	[tilespmem:$0x1C200] =	vst v63  }
0x93: {  	_ =	swait.ge [sflag:s28], $0x2000  }
0x94: {  	[sflag:s28] =	ssyncset.done $0x0  }
0x95: {  	[sflag:s28] =	ssyncadd.s32 $0xFFFFE000  }
0x96: {  	_ =	swait.ge [sflag:s28], $0x1200  }
0x97: {  	[sflag:s28] =	ssyncset.done $0x0  }
0x98: {  	s13 =	simm.s32 $0x0;
	[sflag:s28] =	ssyncadd.s32 $0xFFFFEE00  }
0x99: {  	v0 =	vld [tilespmem:s13+$0x12C70]  }
0x9a: {  	v1 =	vld [tilespmem:s13+$0x12C00]  }
0x9b: {  	v2 =	vld [tilespmem:s13+$0x70]  }
0x9c: {  	v3 =	vld [tilespmem:s13+$0x12C10]  }
0x9d: {  	v4 =	vld [tilespmem:s13+$0x12C20]  }
0x9e: {  	v7 =	vld [tilespmem:s13+$0x12C30]  }
0x9f: {  	v9 =	vld [tilespmem:s13+$0x12C40]  }
0xa0: {  	v11 =	vld [tilespmem:s13+$0x12C50]  }
0xa1: {  	v12 =	vld [tilespmem:s13+$0x12C60];
	v0 =	vmul.f32 $8.000000000e+00, v0  }
0xa2: {  	v10 =	vld [tilespmem:s13+$0x0]  }
0xa3: {  	v13 =	vld [tilespmem:s13+$0x10];
	v0 =	vadd.f32 v2, v0  }
0xa4: {  	v8 =	vld [tilespmem:s13+$0x20]  }
0xa5: {  	v6 =	vld [tilespmem:s13+$0x30];
	[tilespmem:s13+$0x19070] =	vst v0;
	v0 =	vmul.f32 $8.000000000e+00, v1  }
0xa6: {  	v14 =	vmul.f32 $8.000000000e+00, v3;
	v5 =	vmul.f32 $8.000000000e+00, v4;
	v4 =	vld [tilespmem:s13+$0x40]  }
0xa7: {  	v3 =	vmul.f32 $8.000000000e+00, v7;
	v7 =	vld [tilespmem:s13+$0x50];
	v2 =	vmul.f32 $8.000000000e+00, v9;
	v10 =	vadd.f32 v10, v0  }
0xa8: {  	s18 =	simm.s32 $0x400;
	s15 =	simm.s32 $0x80;
	v9 =	vld [tilespmem:s13+$0x60];
	v1 =	vmul.f32 $8.000000000e+00, v11;
	v11 =	vadd.f32 v13, v14;
	v0 =	vmul.f32 $8.000000000e+00, v12  }
.LBB2_7:
0xa9: {  	p0 =	sne.s32 s18, $0xC600;
	v12 =	vld [tilespmem:s15+$0x12C70];
	[tilespmem:s13+$0x19000] =	vst v10;
	v5 =	vadd.f32 v8, v5  }
0xaa: {  	v8 =	vld [tilespmem:s15+$0x12C00];
	[tilespmem:s13+$0x19010] =	vst v11;
	v3 =	vadd.f32 v6, v3  }
0xab: {  	v6 =	vld [tilespmem:s15+$0x70];
	[tilespmem:s13+$0x19020] =	vst v5;
	v2 =	vadd.f32 v4, v2  }
0xac: {  	v4 =	vld [tilespmem:s15+$0x12C10];
	[tilespmem:s13+$0x19030] =	vst v3;
	v1 =	vadd.f32 v7, v1  }
0xad: {  	v3 =	vld [tilespmem:s15+$0x12C20];
	[tilespmem:s13+$0x19040] =	vst v2;
	v0 =	vadd.f32 v9, v0  }
0xae: {  	v2 =	vld [tilespmem:s15+$0x12C30];
	v5 =	vmul.f32 $8.000000000e+00, v12;
	[tilespmem:s13+$0x19050] =	vst v1  }
0xaf: {  	v7 =	vmul.f32 $8.000000000e+00, v8;
	v1 =	vld [tilespmem:s15+$0x12C40];
	[tilespmem:s13+$0x19060] =	vst v0;
	s13 =	smov.u32 s15  }
0xb0: {  	v0 =	vld [tilespmem:s13+$0x12C50];
	v6 =	vadd.f32 v6, v5  }
0xb1: {  	v9 =	vmul.f32 $8.000000000e+00, v4;
	v10 =	vld [tilespmem:s13+$0x12C60]  }
0xb2: {  	v11 =	vld [tilespmem:s13+$0x0];
	v5 =	vmul.f32 $8.000000000e+00, v3;
	[tilespmem:s13+$0x19070] =	vst v6  }
0xb3: {  	v12 =	vld [tilespmem:s13+$0x10];
	v3 =	vmul.f32 $8.000000000e+00, v2  }
.Ltmp2:
0xb4: {  	v8 =	vld [tilespmem:s13+$0x20];
	v2 =	vmul.f32 $8.000000000e+00, v1;
	(pc) =	sbr.rel @p0 .LBB2_7-.Ltmp2, $4  }
0xb5: {  	v6 =	vld [tilespmem:s13+$0x30];
	v1 =	vmul.f32 $8.000000000e+00, v0  }
0xb6: {  	v4 =	vld [tilespmem:s13+$0x40];
	v0 =	vmul.f32 $8.000000000e+00, v10  }
0xb7: {  	v10 =	vadd.f32 v11, v7;
	v7 =	vld [tilespmem:s13+$0x50]  }
0xb8: {  	s15 =	sshra.s32 s18, $0x2;
	s18 =	sadd.s32 $0x200, s18;
	v11 =	vadd.f32 v12, v9;
	v9 =	vld [tilespmem:s13+$0x60]  }
0xb9: {  	v12 =	vld [tilespmem:s15+$0x12C70];
	[tilespmem:s13+$0x19000] =	vst v10;
	v5 =	vadd.f32 v8, v5  }
0xba: {  	v10 =	vld [tilespmem:s15+$0x12C00];
	[tilespmem:s13+$0x19010] =	vst v11;
	v3 =	vadd.f32 v6, v3  }
0xbb: {  	v8 =	vld [tilespmem:s15+$0x70];
	[tilespmem:s13+$0x19020] =	vst v5;
	v2 =	vadd.f32 v4, v2  }
0xbc: {  	v5 =	vld [tilespmem:s15+$0x12C10];
	[tilespmem:s13+$0x19030] =	vst v3;
	v1 =	vadd.f32 v7, v1  }
0xbd: {  	v3 =	vld [tilespmem:s15+$0x12C20];
	[tilespmem:s13+$0x19040] =	vst v2;
	v0 =	vadd.f32 v9, v0  }
0xbe: {  	v2 =	vld [tilespmem:s15+$0x12C30];
	[tilespmem:s13+$0x19050] =	vst v1  }
0xbf: {  	v4 =	vmul.f32 $8.000000000e+00, v12;
	v1 =	vld [tilespmem:s15+$0x12C40];
	[tilespmem:s13+$0x19060] =	vst v0  }
0xc0: {  	v0 =	vld [tilespmem:s15+$0x12C50]  }
0xc1: {  	v4 =	vadd.f32 v8, v4;
	v7 =	vld [tilespmem:s15+$0x0]  }
0xc2: {  	v8 =	vld [tilespmem:s15+$0x20]  }
0xc3: {  	[tilespmem:s15+$0x19070] =	vst v4;
	v4 =	vld [tilespmem:s15+$0x10]  }
0xc4: {  	v6 =	vld [tilespmem:s15+$0x12C60]  }
0xc5: {  	v9 =	vmul.f32 $8.000000000e+00, v10;
	v10 =	vld [tilespmem:s15+$0x30]  }
0xc6: {  	v11 =	vld [tilespmem:s15+$0x40];
	v5 =	vmul.f32 $8.000000000e+00, v5;
	v3 =	vmul.f32 $8.000000000e+00, v3  }
0xc7: {  	v7 =	vadd.f32 v7, v9;
	v9 =	vld [tilespmem:s15+$0x50]  }
0xc8: {  	v2 =	vmul.f32 $8.000000000e+00, v2;
	v3 =	vadd.f32 v8, v3;
	v4 =	vadd.f32 v4, v5;
	v5 =	vld [tilespmem:s15+$0x60]  }
0xc9: {  	v1 =	vmul.f32 $8.000000000e+00, v1;
	[tilespmem:s15+$0x19000] =	vst v7  }
0xca: {  	s18 =	smul.u32 $0xC8, s0;
	v0 =	vmul.f32 $8.000000000e+00, v0;
	v2 =	vadd.f32 v10, v2;
	[tilespmem:s15+$0x19020] =	vst v3  }
0xcb: {  	v1 =	vadd.f32 v11, v1;
	[tilespmem:s15+$0x19010] =	vst v4;
	v4 =	vmul.f32 $8.000000000e+00, v6  }
0xcc: {  	s13 =	sadd.s32 s18, s9;
	[tilespmem:s15+$0x19030] =	vst v2;
	v0 =	vadd.f32 v9, v0  }
0xcd: {  	s13 =	sshll.u32 s13, $0x4;
	[tilespmem:s15+$0x19040] =	vst v1;
	v1 =	vadd.f32 v5, v4  }
0xce: {  	s13 =	sand.u32 $0x1FFFFFC0, s13;
	[tilespmem:s15+$0x19050] =	vst v0  }
0xcf: {  	s18 =	simm.s32 $0x0;
	s13 =	sadd.s32 s2, s13;
	[tilespmem:s15+$0x19060] =	vst v1;
	s15 =	smul.u32 $0x640, s0  }
0xd0: {  	[hbm4b:s13+s18] =	stream.linear.scatter [tilespmem:s29], [sflag:$0x4], $0x3200, $0x38;
	[tilespmem:$0x1C200] =	vst v63  }
0xd1: {  	_ =	swait.ge [sflag:s30], $0x3200  }
0xd2: {  	s13 =	sshra.s32 s15, $0x2;
	[sflag:s30] =	ssyncset.done $0x0  }
0xd3: {  	s18 =	sadd.s32 $0x9858, s13;
	[sflag:s30] =	ssyncadd.s32 $0xFFFFCE00  }
0xd4: {  	[tilespmem:s21], [sflag:$0x2] =	stream.indirect.gather [hbm4b:s4+s14], $0x40, s18, s14, $0xb8;
	[tilespmem:$0x1C200] =	vst v63  }
0xd5: {  	s13 =	sadd.s32 $0x98D8, s13  }
0xd6: {  	[tilespmem:s23], [sflag:$0x2] =	stream.indirect.gather [hbm4b:s4+s17], $0x40, s13, s17, $0xb8;
	[tilespmem:$0x1C200] =	vst v63  }
0xd7: {  	_ =	swait.ge [sflag:s24], $0x2000  }
0xd8: {  	[sflag:s24] =	ssyncset.done $0x0  }
0xd9: {  	[sflag:s24] =	ssyncadd.s32 $0xFFFFE000  }
0xda: {  	_ =	swait.ge [sflag:s24], $0x1200  }
0xdb: {  	[sflag:s24] =	ssyncset.done $0x0  }
0xdc: {  	s13 =	simm.s32 $0x0;
	[sflag:s24] =	ssyncadd.s32 $0xFFFFEE00  }
0xdd: {  	v0 =	vld [tilespmem:s13+$0xFA70]  }
0xde: {  	v1 =	vld [tilespmem:s13+$0xFA00]  }
0xdf: {  	v2 =	vld [tilespmem:s13+$0x70]  }
0xe0: {  	v3 =	vld [tilespmem:s13+$0xFA10]  }
0xe1: {  	v4 =	vld [tilespmem:s13+$0xFA20]  }
0xe2: {  	v5 =	vld [tilespmem:s13+$0xFA30]  }
0xe3: {  	v6 =	vld [tilespmem:s13+$0xFA40]  }
0xe4: {  	v9 =	vld [tilespmem:s13+$0xFA50]  }
0xe5: {  	v10 =	vld [tilespmem:s13+$0xFA60]  }
0xe6: {  	v11 =	vld [tilespmem:s13+$0x0]  }
0xe7: {  	v63 =	vld [tilespmem:s13+$0x10];
	v0 =	vmul.f32 $8.000000000e+00, v0  }
0xe8: {  	v8 =	vld [tilespmem:s13+$0x20]  }
0xe9: {  	v7 =	vld [tilespmem:s13+$0x30];
	v13 =	vmul.f32 $8.000000000e+00, v1;
	v14 =	vmul.f32 $8.000000000e+00, v3;
	v0 =	vadd.f32 v2, v0  }
0xea: {  	v4 =	vmul.f32 $8.000000000e+00, v4;
	v3 =	vmul.f32 $8.000000000e+00, v5;
	v5 =	vld [tilespmem:s13+$0x40]  }
0xeb: {  	v2 =	vmul.f32 $8.000000000e+00, v6;
	v6 =	vld [tilespmem:s13+$0x50];
	[tilespmem:s13+$0x15E70] =	vst v0;
	v0 =	vmul.f32 $8.000000000e+00, v10;
	v10 =	vadd.f32 v11, v13  }
0xec: {  	s15 =	simm.s32 $0x80;
	s18 =	simm.s32 $0x400;
	v1 =	vmul.f32 $8.000000000e+00, v9;
	v9 =	vld [tilespmem:s13+$0x60];
	v11 =	vadd.f32 v63, v14  }
.LBB2_9:
0xed: {  	p0 =	sne.s32 s18, $0xC600;
	v12 =	vld [tilespmem:s15+$0xFA70];
	[tilespmem:s13+$0x15E00] =	vst v10;
	v4 =	vadd.f32 v8, v4  }
0xee: {  	v8 =	vld [tilespmem:s15+$0xFA00];
	[tilespmem:s13+$0x15E10] =	vst v11;
	v3 =	vadd.f32 v7, v3  }
0xef: {  	v7 =	vld [tilespmem:s15+$0x70];
	[tilespmem:s13+$0x15E20] =	vst v4;
	v2 =	vadd.f32 v5, v2  }
0xf0: {  	v4 =	vld [tilespmem:s15+$0xFA10];
	[tilespmem:s13+$0x15E30] =	vst v3;
	v1 =	vadd.f32 v6, v1  }
0xf1: {  	v3 =	vld [tilespmem:s15+$0xFA20];
	[tilespmem:s13+$0x15E40] =	vst v2;
	v0 =	vadd.f32 v9, v0  }
0xf2: {  	v2 =	vld [tilespmem:s15+$0xFA30];
	v5 =	vmul.f32 $8.000000000e+00, v12;
	[tilespmem:s13+$0x15E50] =	vst v1  }
0xf3: {  	v6 =	vmul.f32 $8.000000000e+00, v8;
	v1 =	vld [tilespmem:s15+$0xFA40];
	[tilespmem:s13+$0x15E60] =	vst v0;
	s13 =	smov.u32 s15  }
0xf4: {  	v0 =	vld [tilespmem:s13+$0xFA50];
	v5 =	vadd.f32 v7, v5  }
0xf5: {  	v9 =	vmul.f32 $8.000000000e+00, v4;
	v10 =	vld [tilespmem:s13+$0xFA60]  }
0xf6: {  	v11 =	vld [tilespmem:s13+$0x0];
	v4 =	vmul.f32 $8.000000000e+00, v3;
	[tilespmem:s13+$0x15E70] =	vst v5  }
0xf7: {  	v12 =	vld [tilespmem:s13+$0x10];
	v3 =	vmul.f32 $8.000000000e+00, v2  }
.Ltmp3:
0xf8: {  	v8 =	vld [tilespmem:s13+$0x20];
	v2 =	vmul.f32 $8.000000000e+00, v1;
	(pc) =	sbr.rel @p0 .LBB2_9-.Ltmp3, $4  }
0xf9: {  	v7 =	vld [tilespmem:s13+$0x30];
	v1 =	vmul.f32 $8.000000000e+00, v0  }
0xfa: {  	v5 =	vld [tilespmem:s13+$0x40];
	v0 =	vmul.f32 $8.000000000e+00, v10  }
0xfb: {  	v10 =	vadd.f32 v11, v6;
	v6 =	vld [tilespmem:s13+$0x50]  }
0xfc: {  	s15 =	sshra.s32 s18, $0x2;
	s18 =	sadd.s32 $0x200, s18;
	v11 =	vadd.f32 v12, v9;
	v9 =	vld [tilespmem:s13+$0x60]  }
0xfd: {  	v12 =	vld [tilespmem:s15+$0xFA70];
	[tilespmem:s13+$0x15E00] =	vst v10;
	v4 =	vadd.f32 v8, v4  }
0xfe: {  	v10 =	vld [tilespmem:s15+$0xFA00];
	[tilespmem:s13+$0x15E10] =	vst v11;
	v3 =	vadd.f32 v7, v3  }
0xff: {  	v52 =	vld [tilespmem:s15+$0x70];
	[tilespmem:s13+$0x15E20] =	vst v4;
	v2 =	vadd.f32 v5, v2  }
0x100: {  	v4 =	vld [tilespmem:s15+$0xFA10];
	[tilespmem:s13+$0x15E30] =	vst v3;
	v1 =	vadd.f32 v6, v1  }
0x101: {  	v3 =	vld [tilespmem:s15+$0xFA20];
	[tilespmem:s13+$0x15E40] =	vst v2;
	v0 =	vadd.f32 v9, v0  }
0x102: {  	v2 =	vld [tilespmem:s15+$0xFA30];
	[tilespmem:s13+$0x15E50] =	vst v1  }
0x103: {  	v1 =	vld [tilespmem:s15+$0xFA40];
	[tilespmem:s13+$0x15E60] =	vst v0  }
0x104: {  	v0 =	vld [tilespmem:s15+$0xFA50]  }
0x105: {  	v54 =	vld [tilespmem:s15+$0xFA60]  }
0x106: {  	v55 =	vld [tilespmem:s15+$0x0]  }
0x107: {  	v56 =	vld [tilespmem:s15+$0x10]  }
0x108: {  	v53 =	vmul.f32 $8.000000000e+00, v12;
	v57 =	vld [tilespmem:s15+$0x20]  }
0x109: {  	v58 =	vmul.f32 $8.000000000e+00, v10;
	v59 =	vld [tilespmem:s15+$0x30]  }
0x10a: {  	v5 =	vadd.f32 v52, v53;
	v11 =	vld [tilespmem:s15+$0x40];
	v4 =	vmul.f32 $8.000000000e+00, v4  }
0x10b: {  	v60 =	vld [tilespmem:s15+$0x50];
	v3 =	vmul.f32 $8.000000000e+00, v3;
	v7 =	vadd.f32 v55, v58  }
0x10c: {  	v61 =	vld [tilespmem:s15+$0x60];
	[tilespmem:s15+$0x15E70] =	vst v5;
	v2 =	vmul.f32 $8.000000000e+00, v2;
	v4 =	vadd.f32 v56, v4  }
0x10d: {  	v1 =	vmul.f32 $8.000000000e+00, v1;
	v3 =	vadd.f32 v57, v3;
	[tilespmem:s15+$0x15E00] =	vst v7  }
0x10e: {  	s1 =	smul.u32 $0x64, s1;
	s0 =	sadd.s32 $0x1, s0;
	v0 =	vmul.f32 $8.000000000e+00, v0;
	v2 =	vadd.f32 v59, v2;
	[tilespmem:s15+$0x15E10] =	vst v4  }
0x10f: {  	p0 =	sne.s32 s0, $0x3F;
	v62 =	vmul.f32 $8.000000000e+00, v54;
	v1 =	vadd.f32 v11, v1;
	[tilespmem:s15+$0x15E20] =	vst v3  }
.Ltmp4:
0x110: {  	s1 =	sadd.s32 s5, s1;
	[tilespmem:s15+$0x15E30] =	vst v2;
	v0 =	vadd.f32 v60, v0;
	(pc) =	sbr.rel @p0 .LBB2_6-.Ltmp4, $4  }
0x111: {  	s1 =	sshll.u32 s1, $0x4;
	v63 =	vadd.f32 v61, v62;
	[tilespmem:s15+$0x15E40] =	vst v1  }
0x112: {  	s1 =	sand.u32 $0x1FFFFF80, s1;
	[tilespmem:s15+$0x15E50] =	vst v0  }
0x113: {  	s1 =	sadd.s32 s2, s1;
	[tilespmem:s15+$0x15E60] =	vst v63  }
0x114: {  	[hbm4b:s1+s3] =	stream.linear.scatter [tilespmem:s25], [sflag:$0x3], $0x3200, $0x38;
	[tilespmem:$0x1C200] =	vst v63  }
0x115: {  	_ =	swait.ge [sflag:s26], $0x3200  }
0x116: {  	[sflag:s26] =	ssyncset.done $0x0  }
0x117: {  	[sflag:s26] =	ssyncadd.s32 $0xFFFFCE00  }
0x118: {  	_ =	swait.ge [sflag:s28], $0x2000  }
0x119: {  	[sflag:s28] =	ssyncset.done $0x0  }
0x11a: {  	[sflag:s28] =	ssyncadd.s32 $0xFFFFE000  }
0x11b: {  	_ =	swait.ge [sflag:s28], $0x1200  }
0x11c: {  	[sflag:s28] =	ssyncset.done $0x0  }
0x11d: {  	s0 =	simm.s32 $0x0;
	[sflag:s28] =	ssyncadd.s32 $0xFFFFEE00  }
0x11e: {  	v0 =	vld [tilespmem:s0+$0x12C70]  }
0x11f: {  	v1 =	vld [tilespmem:s0+$0x12C00]  }
0x120: {  	v2 =	vld [tilespmem:s0+$0x70]  }
0x121: {  	v3 =	vld [tilespmem:s0+$0x12C10]  }
0x122: {  	v4 =	vld [tilespmem:s0+$0x12C20]  }
0x123: {  	v7 =	vld [tilespmem:s0+$0x12C30]  }
0x124: {  	v9 =	vld [tilespmem:s0+$0x12C40]  }
0x125: {  	v11 =	vld [tilespmem:s0+$0x12C50]  }
0x126: {  	v12 =	vld [tilespmem:s0+$0x12C60];
	v0 =	vmul.f32 $8.000000000e+00, v0  }
0x127: {  	v10 =	vld [tilespmem:s0+$0x0]  }
0x128: {  	v13 =	vld [tilespmem:s0+$0x10];
	v0 =	vadd.f32 v2, v0  }
0x129: {  	v8 =	vld [tilespmem:s0+$0x20]  }
0x12a: {  	v6 =	vld [tilespmem:s0+$0x30];
	[tilespmem:s0+$0x19070] =	vst v0;
	v0 =	vmul.f32 $8.000000000e+00, v1  }
0x12b: {  	v14 =	vmul.f32 $8.000000000e+00, v3;
	v5 =	vmul.f32 $8.000000000e+00, v4;
	v4 =	vld [tilespmem:s0+$0x40]  }
0x12c: {  	v3 =	vmul.f32 $8.000000000e+00, v7;
	v7 =	vld [tilespmem:s0+$0x50];
	v2 =	vmul.f32 $8.000000000e+00, v9;
	v10 =	vadd.f32 v10, v0  }
0x12d: {  	s1 =	simm.s32 $0x80;
	s13 =	simm.s32 $0x400;
	v9 =	vld [tilespmem:s0+$0x60];
	v1 =	vmul.f32 $8.000000000e+00, v11;
	v11 =	vadd.f32 v13, v14;
	v0 =	vmul.f32 $8.000000000e+00, v12  }
.LBB2_12:
0x12e: {  	p0 =	sne.s32 s13, $0xC600;
	v12 =	vld [tilespmem:s1+$0x12C70];
	[tilespmem:s0+$0x19000] =	vst v10;
	v5 =	vadd.f32 v8, v5  }
0x12f: {  	v8 =	vld [tilespmem:s1+$0x12C00];
	[tilespmem:s0+$0x19010] =	vst v11;
	v3 =	vadd.f32 v6, v3  }
0x130: {  	v6 =	vld [tilespmem:s1+$0x70];
	[tilespmem:s0+$0x19020] =	vst v5;
	v2 =	vadd.f32 v4, v2  }
0x131: {  	v4 =	vld [tilespmem:s1+$0x12C10];
	[tilespmem:s0+$0x19030] =	vst v3;
	v1 =	vadd.f32 v7, v1  }
0x132: {  	v3 =	vld [tilespmem:s1+$0x12C20];
	[tilespmem:s0+$0x19040] =	vst v2;
	v0 =	vadd.f32 v9, v0  }
0x133: {  	v2 =	vld [tilespmem:s1+$0x12C30];
	v5 =	vmul.f32 $8.000000000e+00, v12;
	[tilespmem:s0+$0x19050] =	vst v1  }
0x134: {  	v7 =	vmul.f32 $8.000000000e+00, v8;
	v1 =	vld [tilespmem:s1+$0x12C40];
	[tilespmem:s0+$0x19060] =	vst v0;
	s0 =	smov.u32 s1  }
0x135: {  	v0 =	vld [tilespmem:s0+$0x12C50];
	v6 =	vadd.f32 v6, v5  }
0x136: {  	v9 =	vmul.f32 $8.000000000e+00, v4;
	v10 =	vld [tilespmem:s0+$0x12C60]  }
0x137: {  	v11 =	vld [tilespmem:s0+$0x0];
	v5 =	vmul.f32 $8.000000000e+00, v3;
	[tilespmem:s0+$0x19070] =	vst v6  }
0x138: {  	v12 =	vld [tilespmem:s0+$0x10];
	v3 =	vmul.f32 $8.000000000e+00, v2  }
.Ltmp5:
0x139: {  	v8 =	vld [tilespmem:s0+$0x20];
	v2 =	vmul.f32 $8.000000000e+00, v1;
	(pc) =	sbr.rel @p0 .LBB2_12-.Ltmp5, $4  }
0x13a: {  	v6 =	vld [tilespmem:s0+$0x30];
	v1 =	vmul.f32 $8.000000000e+00, v0  }
0x13b: {  	v4 =	vld [tilespmem:s0+$0x40];
	v0 =	vmul.f32 $8.000000000e+00, v10  }
0x13c: {  	v10 =	vadd.f32 v11, v7;
	v7 =	vld [tilespmem:s0+$0x50]  }
0x13d: {  	s1 =	sshra.s32 s13, $0x2;
	s13 =	sadd.s32 $0x200, s13;
	v11 =	vadd.f32 v12, v9;
	v9 =	vld [tilespmem:s0+$0x60]  }
0x13e: {  	v12 =	vld [tilespmem:s1+$0x12C70];
	[tilespmem:s0+$0x19000] =	vst v10;
	v5 =	vadd.f32 v8, v5  }
0x13f: {  	v10 =	vld [tilespmem:s1+$0x12C00];
	[tilespmem:s0+$0x19010] =	vst v11;
	v3 =	vadd.f32 v6, v3  }
0x140: {  	v52 =	vld [tilespmem:s1+$0x70];
	[tilespmem:s0+$0x19020] =	vst v5;
	v2 =	vadd.f32 v4, v2  }
0x141: {  	v5 =	vld [tilespmem:s1+$0x12C10];
	[tilespmem:s0+$0x19030] =	vst v3;
	v1 =	vadd.f32 v7, v1  }
0x142: {  	v3 =	vld [tilespmem:s1+$0x12C20];
	[tilespmem:s0+$0x19040] =	vst v2;
	v0 =	vadd.f32 v9, v0  }
0x143: {  	v2 =	vld [tilespmem:s1+$0x12C30];
	[tilespmem:s0+$0x19050] =	vst v1  }
0x144: {  	v1 =	vld [tilespmem:s1+$0x12C40];
	[tilespmem:s0+$0x19060] =	vst v0  }
0x145: {  	v0 =	vld [tilespmem:s1+$0x12C50]  }
0x146: {  	v54 =	vld [tilespmem:s1+$0x12C60]  }
0x147: {  	v55 =	vld [tilespmem:s1+$0x0]  }
0x148: {  	v56 =	vld [tilespmem:s1+$0x10]  }
0x149: {  	v53 =	vmul.f32 $8.000000000e+00, v12;
	v57 =	vld [tilespmem:s1+$0x20]  }
0x14a: {  	v58 =	vmul.f32 $8.000000000e+00, v10;
	v59 =	vld [tilespmem:s1+$0x30]  }
0x14b: {  	v4 =	vadd.f32 v52, v53;
	v11 =	vld [tilespmem:s1+$0x40];
	v5 =	vmul.f32 $8.000000000e+00, v5  }
0x14c: {  	v60 =	vld [tilespmem:s1+$0x50];
	v3 =	vmul.f32 $8.000000000e+00, v3;
	v7 =	vadd.f32 v55, v58  }
0x14d: {  	v61 =	vld [tilespmem:s1+$0x60];
	[tilespmem:s1+$0x19070] =	vst v4;
	v2 =	vmul.f32 $8.000000000e+00, v2;
	v4 =	vadd.f32 v56, v5  }
0x14e: {  	v1 =	vmul.f32 $8.000000000e+00, v1;
	v3 =	vadd.f32 v57, v3;
	[tilespmem:s1+$0x19000] =	vst v7  }
0x14f: {  	v0 =	vmul.f32 $8.000000000e+00, v0;
	v2 =	vadd.f32 v59, v2;
	[tilespmem:s1+$0x19010] =	vst v4  }
0x150: {  	v62 =	vmul.f32 $8.000000000e+00, v54;
	v1 =	vadd.f32 v11, v1;
	[tilespmem:s1+$0x19020] =	vst v3  }
0x151: {  	[tilespmem:s1+$0x19030] =	vst v2;
	v0 =	vadd.f32 v60, v0  }
0x152: {  	s31 =	sadd.s32 $0x1, s31;
	v63 =	vadd.f32 v61, v62;
	[tilespmem:s1+$0x19040] =	vst v1  }
0x153: {  	p0 =	sne.s32 s31, s11;
	[tilespmem:s1+$0x19050] =	vst v0  }
.Ltmp6:
0x154: {  	[tilespmem:s1+$0x19060] =	vst v63;
	(pc) =	sbr.rel @p0 .LBB2_1-.Ltmp6, $4  }
0x155: {  	[hbm4b:s10+s3] =	stream.linear.scatter [tilespmem:s29], [sflag:$0x4], $0x3200, $0x38;
	[tilespmem:$0x1C200] =	vst v63  }
0x156: {  	_ =	swait.ge [sflag:s30], $0x3200  }
0x157: {  	[sflag:s30] =	ssyncset.done $0x0  }
0x158: {  	[sflag:s30] =	ssyncadd.s32 $0xFFFFCE00  }
0x159: {  	_ =	sfence.sel $0x180000  }
0x15a: {  	[bflag:$0x0] =	sbarrier.arrive $0xFFFF  }
0x15b: {  	_ =	strace $0x90000047  }
0x15c: {  	s0 =	stileid.u32;
	[bflag:$0x2] =	sbarrier.arrive $0xFFFF  }
0x15d: {  	p0 =	sne.s32 s0, $0x0;
	s0 =	rddreg [dreg:$0x2]  }
0x15e: {  	s0 =	sadd.s32 @!p0 $0x100000, s0  }
0x15f: {  	[sflag:s0] =	ssyncadd.tile.s32 @!p0 $0x1;
	_ =	shalt  }
.Lfunc_end2:
_tile_overlayer_lowered:
.L_overlay_start_2:
0x160: {  	(tag) =	ssettag $0x2  }
0x161: {  	s0 =	rddreg [dreg:$0x0];
	s2 =	stileid.u32  }
0x162: {  	s1 =	rddreg [dreg:$0x1];
	p0 =	sne.s32 s2, $0x0  }
0x163: {  	s3 =	rddreg [dreg:$0x2];
	[bflag:$0x3] =	sbarrier.arrive $0xFFFF;
	s2 =	simm.s32 @!p0 $0x1C05  }
0x164: {  	[timem:s3], [sflag:s2] =	dma.local @!p0 [hbm:s0], s1  }
0x165: {  	s0 =	simm.s32 @!p0 $0x5  }
0x166: {  	_ =	swait.ge @!p0 [sflag:s0], s1  }
0x167: {  	s1 =	ssub.s32 @!p0 $0x0, s1;
	[sflag:s0] =	ssyncset.done @!p0 $0x0  }
0x168: {  	[sflag:s0] =	ssyncadd.s32 @!p0 s1  }
0x169: {  	[bflag:$0x3] =	sbarrier.arrive $0xFFFF  }
0x16a: {  	_ =	shalt  }

</sc_bundles>
